<compile_context>
chip_gen: v7x
topology: tpu7x:2x2x1
jax: 0.10.2.dev20260603
libtpu: 0.0.44.dev20260713+nightly
codegen_flags: <defaults>
</compile_context>

<pallas_src>
import functools

import jax
import jax.numpy as jnp
from jax.experimental import pallas as pl
from jax.experimental.pallas import tpu as pltpu
from jax.experimental.pallas import tpu_sc as plsc

_N = 10000
_NP = 10240
_E = 160000
_K = 128
_NW = 32
_NCHUNK = 5120 // _K
_EP = _NW * _NCHUNK * _K
_RPS = _NP // 16

_mesh = plsc.VectorSubcoreMesh(core_axis_name="c", subcore_axis_name="s")
_sc_params = pltpu.CompilerParams(use_tc_tiling_on_sc=False)



def _make_deg():
    @functools.partial(
        pl.kernel,
        out_type=jax.ShapeDtypeStruct((2, _NP, 16), jnp.float32),
        mesh=_mesh,
        scratch_types=[
            pltpu.VMEM((_NCHUNK, _K), jnp.int32),
            pltpu.VMEM((_K, 16), jnp.float32),
            pltpu.VMEM_SHARED((_NP, 16), jnp.float32),
        ],
        compiler_params=_sc_params,
    )
    def deg(dst_hbm, ones_hbm, zeros_hbm, out_hbm, dstv, onesv, acc):
        c = jax.lax.axis_index("c")
        s = jax.lax.axis_index("s")
        wid = s * 2 + c
        base = s * _RPS
        pltpu.sync_copy(zeros_hbm.at[pl.ds(base, _RPS)],
                        acc.at[pl.ds(base, _RPS)])
        pltpu.sync_copy(dst_hbm.at[wid], dstv)
        pltpu.sync_copy(ones_hbm, onesv)
        plsc.subcore_barrier()

        @pl.loop(0, _NCHUNK)
        def _(j):
            pltpu.sync_copy(onesv, acc.at[dstv.at[j]], add=True)

        plsc.subcore_barrier()
        pltpu.sync_copy(acc.at[pl.ds(base, _RPS)],
                        out_hbm.at[c, pl.ds(base, _RPS)])

    return deg


def _edge_stream(table, acc, srcv, dstv, rows0, rows1, sem0, sem1):

    @pl.loop(0, _NCHUNK, step=2)
    def _(j):
        pltpu.sync_copy(table.at[srcv.at[j]], rows0)

        @pl.when(j > 0)
        def _():
            pltpu.make_async_copy(rows1, acc.at[dstv.at[j - 1]], sem1).wait()

        pltpu.async_copy(rows0, acc.at[dstv.at[j]], sem0, add=True)
        pltpu.sync_copy(table.at[srcv.at[j + 1]], rows1)
        pltpu.make_async_copy(rows0, acc.at[dstv.at[j]], sem0).wait()
        pltpu.async_copy(rows1, acc.at[dstv.at[j + 1]], sem1, add=True)

    pltpu.make_async_copy(rows1, acc.at[dstv.at[_NCHUNK - 1]], sem1).wait()


def _make_propagate(width, spmem_src=False):
    scratch = [
        pltpu.VMEM((_NCHUNK, _K), jnp.int32),
        pltpu.VMEM((_NCHUNK, _K), jnp.int32),
        pltpu.VMEM((_K, width), jnp.float32),
        pltpu.VMEM((_K, width), jnp.float32),
        pltpu.VMEM_SHARED((_NP, width), jnp.float32),
        pltpu.SemaphoreType.DMA,
        pltpu.SemaphoreType.DMA,
    ]
    if spmem_src:
        scratch.append(pltpu.VMEM_SHARED((_NP, width), jnp.float32))

    @functools.partial(
        pl.kernel,
        out_type=jax.ShapeDtypeStruct((2, _NP, width), jnp.float32),
        mesh=_mesh,
        scratch_types=scratch,
        compiler_params=_sc_params,
    )
    def prop(y_hbm, src_hbm, dst_hbm, out_hbm, srcv, dstv, rows0, rows1,
             acc, sem0, sem1, *maybe_ysp):
        c = jax.lax.axis_index("c")
        s = jax.lax.axis_index("s")
        wid = s * 2 + c
        base = s * _RPS
        pltpu.sync_copy(y_hbm.at[pl.ds(base, _RPS)],
                        acc.at[pl.ds(base, _RPS)])
        if spmem_src:
            ysp = maybe_ysp[0]
            pltpu.sync_copy(y_hbm.at[pl.ds(base, _RPS)],
                            ysp.at[pl.ds(base, _RPS)])
            src_tab = ysp
        else:
            src_tab = y_hbm
        pltpu.sync_copy(src_hbm.at[wid], srcv)
        pltpu.sync_copy(dst_hbm.at[wid], dstv)
        plsc.subcore_barrier()
        _edge_stream(src_tab, acc, srcv, dstv, rows0, rows1, sem0, sem1)
        plsc.subcore_barrier()
        pltpu.sync_copy(acc.at[pl.ds(base, _RPS)],
                        out_hbm.at[c, pl.ds(base, _RPS)])

    return prop


def _make_prop128_split():
    half = jax.ShapeDtypeStruct((2, _NP, 64), jnp.float32)

    @functools.partial(
        pl.kernel,
        out_type=(half, half),
        mesh=_mesh,
        scratch_types=[
            pltpu.VMEM((_NCHUNK, _K), jnp.int32),
            pltpu.VMEM((_NCHUNK, _K), jnp.int32),
            pltpu.VMEM((_K, 64), jnp.float32),
            pltpu.VMEM((_K, 64), jnp.float32),
            pltpu.VMEM_SHARED((_NP, 64), jnp.float32),
            pltpu.VMEM_SHARED((_NP, 64), jnp.float32),
            pltpu.SemaphoreType.DMA,
            pltpu.SemaphoreType.DMA,
        ],
        compiler_params=_sc_params,
    )
    def prop(y0_hbm, y1_hbm, src_hbm, dst_hbm, o0_hbm, o1_hbm,
             srcv, dstv, rows0, rows1, acc, ysp, sem0, sem1):
        c = jax.lax.axis_index("c")
        s = jax.lax.axis_index("s")
        wid = s * 2 + c
        stripe = pl.ds(s * _RPS, _RPS)
        pltpu.sync_copy(src_hbm.at[wid], srcv)
        pltpu.sync_copy(dst_hbm.at[wid], dstv)
        for p, (yh, oh) in enumerate(((y0_hbm, o0_hbm), (y1_hbm, o1_hbm))):
            pltpu.sync_copy(yh.at[stripe], acc.at[stripe])
            pltpu.sync_copy(yh.at[stripe], ysp.at[stripe])
            plsc.subcore_barrier()
            _edge_stream(ysp, acc, srcv, dstv, rows0, rows1, sem0, sem1)
            plsc.subcore_barrier()
            pltpu.sync_copy(acc.at[stripe], oh.at[c, stripe])
            if p == 0:
                plsc.subcore_barrier()

    return prop


_deg_kernel = _make_deg()
_prop128 = _make_prop128_split()
_prop32 = _make_propagate(32, spmem_src=True)



_BROW = 512


def _mmscale_body(x_ref, w_ref, d0_ref, d1_ref, y0_ref, y1_ref, dinv_ref):
    dinv = jax.lax.rsqrt(d0_ref[...] + d1_ref[...] + 1.0)
    dinv_ref[...] = dinv
    xw = jnp.dot(x_ref[...], w_ref[...], preferred_element_type=jnp.float32)
    y = xw * dinv[:, 0:1]
    y0_ref[...] = y[:, :64]
    y1_ref[...] = y[:, 64:]


def _mmscale(x, w, d0, d1):
    return pl.pallas_call(
        _mmscale_body,
        grid=(_NP // _BROW,),
        in_specs=[pl.BlockSpec((_BROW, 128), lambda i: (i, 0)),
                  pl.BlockSpec((128, 128), lambda i: (0, 0)),
                  pl.BlockSpec((_BROW, 16), lambda i: (i, 0)),
                  pl.BlockSpec((_BROW, 16), lambda i: (i, 0))],
        out_specs=[pl.BlockSpec((_BROW, 64), lambda i: (i, 0)),
                   pl.BlockSpec((_BROW, 64), lambda i: (i, 0)),
                   pl.BlockSpec((_BROW, 16), lambda i: (i, 0))],
        out_shape=[jax.ShapeDtypeStruct((_NP, 64), jnp.float32),
                   jax.ShapeDtypeStruct((_NP, 64), jnp.float32),
                   jax.ShapeDtypeStruct((_NP, 16), jnp.float32)],
        compiler_params=pltpu.CompilerParams(
            dimension_semantics=("parallel",)),
    )(x, w, d0, d1)


def _combine1_body(a00_ref, a01_ref, a10_ref, a11_ref, y0_ref, y1_ref,
                   dinv_ref, b_ref, w_ref, y2_ref):
    dinv = dinv_ref[:, 0:1]
    h0 = dinv * (a00_ref[...] + a01_ref[...] - y0_ref[...]) + b_ref[:, :64]
    h1 = dinv * (a10_ref[...] + a11_ref[...] - y1_ref[...]) + b_ref[:, 64:]
    h = jnp.maximum(jnp.concatenate([h0, h1], axis=1), 0.0)
    y2_ref[...] = jnp.dot(h, w_ref[...],
                          preferred_element_type=jnp.float32) * dinv


def _combine1(p0, p1, y10, y11, dinv, b1, w_cat):
    half = pl.BlockSpec((_BROW, 64), lambda i: (i, 0))
    return pl.pallas_call(
        _combine1_body,
        grid=(_NP // _BROW,),
        in_specs=[half, half, half, half, half, half,
                  pl.BlockSpec((_BROW, 16), lambda i: (i, 0)),
                  pl.BlockSpec((1, 128), lambda i: (0, 0)),
                  pl.BlockSpec((128, 32), lambda i: (0, 0))],
        out_specs=pl.BlockSpec((_BROW, 32), lambda i: (i, 0)),
        out_shape=jax.ShapeDtypeStruct((_NP, 32), jnp.float32),
        compiler_params=pltpu.CompilerParams(
            dimension_semantics=("parallel",)),
    )(p0[0], p0[1], p1[0], p1[1], y10, y11, dinv, b1, w_cat)


def _combine2_body(a0_ref, a1_ref, y_ref, dinv_ref, b_ref, mu_ref, lv_ref):
    dinv = dinv_ref[:, 0:1]
    o = dinv * (a0_ref[...] + a1_ref[...] - y_ref[...]) + b_ref[...]
    mu_ref[...] = o[:, :16]
    lv_ref[...] = o[:, 16:]


def _combine2(a0, a1, y2, dinv, b_cat):
    half = pl.BlockSpec((_BROW, 16), lambda i: (i, 0))
    return pl.pallas_call(
        _combine2_body,
        grid=(_NP // _BROW,),
        in_specs=[pl.BlockSpec((_BROW, 32), lambda i: (i, 0)),
                  pl.BlockSpec((_BROW, 32), lambda i: (i, 0)),
                  pl.BlockSpec((_BROW, 32), lambda i: (i, 0)),
                  pl.BlockSpec((_BROW, 16), lambda i: (i, 0)),
                  pl.BlockSpec((1, 32), lambda i: (0, 0))],
        out_specs=[half, half],
        out_shape=[jax.ShapeDtypeStruct((_NP, 16), jnp.float32),
                   jax.ShapeDtypeStruct((_NP, 16), jnp.float32)],
        compiler_params=pltpu.CompilerParams(
            dimension_semantics=("parallel",)),
    )(a0, a1, y2, dinv, b_cat)


_BM = 512
_BN = 2048


def _decoder_body(z_row_ref, z_col_ref, out_ref):
    a = z_row_ref[...] * 0.5
    acc = jax.lax.dot_general(a, z_col_ref[...],
                              (((1,), (1,)), ((), ())),
                              preferred_element_type=jnp.float32)
    out_ref[...] = jnp.tanh(acc) * 0.5 + 0.5


def _decoder(z):
    return pl.pallas_call(
        _decoder_body,
        grid=(pl.cdiv(_N, _BM), pl.cdiv(_N, _BN)),
        in_specs=[pl.BlockSpec((_BM, 16), lambda i, j: (i, 0)),
                  pl.BlockSpec((_BN, 16), lambda i, j: (j, 0))],
        out_specs=pl.BlockSpec((_BM, _BN), lambda i, j: (i, j)),
        out_shape=jax.ShapeDtypeStruct((_N, _N), jnp.float32),
        compiler_params=pltpu.CompilerParams(
            dimension_semantics=("parallel", "parallel")),
    )(z, z)



def kernel(x, edge_index, W1, b1, W_mu, b_mu, W_lv, b_lv):
    ei = edge_index.astype(jnp.int32)
    src = jnp.concatenate([ei[0], jnp.zeros((_EP - _E,), jnp.int32)])
    dst = jnp.concatenate([ei[1],
                           jnp.full((_EP - _E,), _N, jnp.int32)])
    src3 = src.reshape(_NW, _NCHUNK, _K)
    dst3 = dst.reshape(_NW, _NCHUNK, _K)

    ones = jnp.ones((_K, 16), jnp.float32)
    zeros = jnp.zeros((_NP, 16), jnp.float32)
    x_pad = jnp.pad(x, ((0, _NP - _N), (0, 0)))
    w_cat = jnp.concatenate([W_mu, W_lv], axis=1)
    b_cat = jnp.concatenate([b_mu, b_lv]).reshape(1, 32)

    deg = _deg_kernel(dst3, ones, zeros)
    y10, y11, dinv = _mmscale(x_pad, W1, deg[0], deg[1])
    p0, p1 = _prop128(y10, y11, src3, dst3)
    y2 = _combine1(p0, p1, y10, y11, dinv, b1.reshape(1, 128), w_cat)
    p2 = _prop32(y2, src3, dst3)
    mu_p, lv_p = _combine2(p2[0], p2[1], y2, dinv, b_cat)
    adj_pred = _decoder(mu_p)
    return (adj_pred, mu_p[:_N], lv_p[:_N])

# --- scband reference (transcript-rebuilt; emitter-appended) ---
"""Pipeline reference for scband-base-vgae-3513283248871 (READ-ONLY COPY).

The authoritative reference and input builder live on the scoring server;
editing this copy changes nothing except your own understanding.
"""

import jax, jax.numpy as jnp
import numpy as np

N = 10000
E = 160000
D_IN = 128
D_HID = 128
D_OUT = 16


def gcn_conv(x, src, dst, W, b, n):
    # PyG GCNConv with add_self_loops=True and symmetric normalization
    xw = x @ W
    loop = jnp.arange(n, dtype=src.dtype)
    s = jnp.concatenate([src, loop])
    d = jnp.concatenate([dst, loop])
    deg = jax.ops.segment_sum(jnp.ones_like(s, dtype=x.dtype), d, num_segments=n)
    dinv = jnp.where(deg > 0, deg ** -0.5, 0.0)
    norm = dinv[s] * dinv[d]
    msg = xw[s] * norm[:, None]
    out = jax.ops.segment_sum(msg, d, num_segments=n)
    return out + b


def setup_inputs(seed: int = 0) -> dict:
    key = jax.random.key(seed)
    ks = jax.random.split(key, 8)
    x = jax.random.normal(ks[0], (N, D_IN), dtype=jnp.float32)
    edge_index = jax.random.randint(ks[1], (2, E), 0, N, dtype=jnp.int64)
    W1 = jax.random.normal(ks[2], (D_IN, D_HID), dtype=jnp.float32) * (1.0 / np.sqrt(D_IN))
    b1 = jnp.zeros((D_HID,), dtype=jnp.float32)
    W_mu = jax.random.normal(ks[3], (D_HID, D_OUT), dtype=jnp.float32) * (1.0 / np.sqrt(D_HID))
    b_mu = jnp.zeros((D_OUT,), dtype=jnp.float32)
    W_lv = jax.random.normal(ks[4], (D_HID, D_OUT), dtype=jnp.float32) * (1.0 / np.sqrt(D_HID))
    b_lv = jnp.zeros((D_OUT,), dtype=jnp.float32)
    return {"x": x, "edge_index": edge_index, "W1": W1, "b1": b1,
            "W_mu": W_mu, "b_mu": b_mu, "W_lv": W_lv, "b_lv": b_lv}


def reference(x, edge_index, W1, b1, W_mu, b_mu, W_lv, b_lv):
    src, dst = edge_index[0], edge_index[1]
    h = jax.nn.relu(gcn_conv(x, src, dst, W1, b1, N))
    mu = gcn_conv(h, src, dst, W_mu, b_mu, N)
    logvar = gcn_conv(h, src, dst, W_lv, b_lv, N)
    # eval-mode reparametrize: z = mu (deterministic)
    z = mu
    # InnerProductDecoder.forward_all with sigmoid=True
    adj_pred = jax.nn.sigmoid(z @ z.T)
    return (adj_pred, mu, logvar)

if __name__ == "__main__":
    import jax
    _d = setup_inputs()
    print(jax.jit(kernel)(*tuple(_d.values())))

</pallas_src>

<mosaic_0001>
#map = affine_map<(d0, d1) -> (0, 0)>
#map1 = affine_map<(d0, d1) -> (0, 0, 0)>
module attributes {stable_mosaic.version = 14 : i64} {
  func.func @prop(%arg0: i32, %arg1: i32, %arg2: memref<10240x32xf32, #tpu.memory_space<hbm>>, %arg3: memref<32x40x128xi32, #tpu.memory_space<hbm>>, %arg4: memref<32x40x128xi32, #tpu.memory_space<hbm>>, %arg5: memref<2x10240x32xf32, #tpu.memory_space<hbm>>, %arg6: memref<40x128xi32, #tpu.memory_space<vmem>>, %arg7: memref<40x128xi32, #tpu.memory_space<vmem>>, %arg8: memref<128x32xf32, #tpu.memory_space<vmem>>, %arg9: memref<128x32xf32, #tpu.memory_space<vmem>>, %arg10: memref<10240x32xf32, #tpu.memory_space<vmem_shared>>, %arg11: memref<!tpu.dma_semaphore, #tpu.memory_space<semaphore_mem>>, %arg12: memref<!tpu.dma_semaphore, #tpu.memory_space<semaphore_mem>>, %arg13: memref<10240x32xf32, #tpu.memory_space<vmem_shared>>) attributes {dimension_semantics = [#tpu.dimension_semantics<core_parallel>, #tpu.dimension_semantics<subcore_parallel>], iteration_bounds = array<i64: 2, 16>, scalar_prefetch = 0 : i64, scratch_operands = 8 : i64, tpu.core_type = #tpu.core_type<sc_vector_subcore>, window_params = [{transform_indices = #map}, {transform_indices = #map1}, {transform_indices = #map1}, {transform_indices = #map1}]} {
    %mul3A = arith.constant 2 : i32
    %mul3A_0 = arith.muli %arg1, %mul3A : i32
    %add3A = arith.addi %mul3A_0, %arg0 : i32
    %mul3A_1 = arith.constant 640 : i32
    %mul3A_2 = arith.muli %arg1, %mul3A_1 : i32
    "tpu.region"() ({
      %run_scoped3A = tpu.sem_alloc : memref<!tpu.dma_semaphore, #tpu.memory_space<semaphore_mem>>
      %dma_start3A = arith.constant 0 : i32
      %dma_start3A_14 = tpu.memref_slice %arg10[%mul3A_2, %dma_start3A] : memref<10240x32xf32, #tpu.memory_space<vmem_shared>> -> memref<640x32xf32, #tpu.memory_space<vmem_shared>>
      %dma_start3A_15 = arith.constant 0 : i32
      %dma_start3A_16 = tpu.memref_slice %arg2[%mul3A_2, %dma_start3A_15] : memref<10240x32xf32, #tpu.memory_space<hbm>> -> memref<640x32xf32, #tpu.memory_space<hbm>>
      tpu.enqueue_dma source(%dma_start3A_16 : memref<640x32xf32, #tpu.memory_space<hbm>>) target(%dma_start3A_14 : memref<640x32xf32, #tpu.memory_space<vmem_shared>>) target_semaphore(%run_scoped3A : memref<!tpu.dma_semaphore, #tpu.memory_space<semaphore_mem>>)
      %dma_wait3A_17 = arith.constant 0 : i32
      %dma_wait3A_18 = tpu.memref_slice %arg10[%mul3A_2, %dma_wait3A_17] : memref<10240x32xf32, #tpu.memory_space<vmem_shared>> -> memref<640x32xf32, #tpu.memory_space<vmem_shared>>
      %dma_wait3A_19 = arith.constant 0 : i32
      %dma_wait3A_20 = tpu.memref_slice %arg2[%mul3A_2, %dma_wait3A_19] : memref<10240x32xf32, #tpu.memory_space<hbm>> -> memref<640x32xf32, #tpu.memory_space<hbm>>
      tpu.wait_dma2 semaphore(%run_scoped3A : memref<!tpu.dma_semaphore, #tpu.memory_space<semaphore_mem>>) src(%dma_wait3A_20 : memref<640x32xf32, #tpu.memory_space<hbm>>) dst(%dma_wait3A_18 : memref<640x32xf32, #tpu.memory_space<vmem_shared>>)
      tpu.yield
    }) : () -> ()
    "tpu.region"() ({
      %run_scoped3A = tpu.sem_alloc : memref<!tpu.dma_semaphore, #tpu.memory_space<semaphore_mem>>
      %dma_start3A = arith.constant 0 : i32
      %dma_start3A_14 = tpu.memref_slice %arg13[%mul3A_2, %dma_start3A] : memref<10240x32xf32, #tpu.memory_space<vmem_shared>> -> memref<640x32xf32, #tpu.memory_space<vmem_shared>>
      %dma_start3A_15 = arith.constant 0 : i32
      %dma_start3A_16 = tpu.memref_slice %arg2[%mul3A_2, %dma_start3A_15] : memref<10240x32xf32, #tpu.memory_space<hbm>> -> memref<640x32xf32, #tpu.memory_space<hbm>>
      tpu.enqueue_dma source(%dma_start3A_16 : memref<640x32xf32, #tpu.memory_space<hbm>>) target(%dma_start3A_14 : memref<640x32xf32, #tpu.memory_space<vmem_shared>>) target_semaphore(%run_scoped3A : memref<!tpu.dma_semaphore, #tpu.memory_space<semaphore_mem>>)
      %dma_wait3A_17 = arith.constant 0 : i32
      %dma_wait3A_18 = tpu.memref_slice %arg13[%mul3A_2, %dma_wait3A_17] : memref<10240x32xf32, #tpu.memory_space<vmem_shared>> -> memref<640x32xf32, #tpu.memory_space<vmem_shared>>
      %dma_wait3A_19 = arith.constant 0 : i32
      %dma_wait3A_20 = tpu.memref_slice %arg2[%mul3A_2, %dma_wait3A_19] : memref<10240x32xf32, #tpu.memory_space<hbm>> -> memref<640x32xf32, #tpu.memory_space<hbm>>
      tpu.wait_dma2 semaphore(%run_scoped3A : memref<!tpu.dma_semaphore, #tpu.memory_space<semaphore_mem>>) src(%dma_wait3A_20 : memref<640x32xf32, #tpu.memory_space<hbm>>) dst(%dma_wait3A_18 : memref<640x32xf32, #tpu.memory_space<vmem_shared>>)
      tpu.yield
    }) : () -> ()
    "tpu.region"() ({
      %run_scoped3A = tpu.sem_alloc : memref<!tpu.dma_semaphore, #tpu.memory_space<semaphore_mem>>
      %dma_start3A = arith.constant 0 : i32
      %dma_start3A_14 = arith.constant 0 : i32
      %dma_start3A_15 = tpu.memref_slice %arg3[%add3A, %dma_start3A, %dma_start3A_14] : memref<32x40x128xi32, #tpu.memory_space<hbm>> -> memref<1x40x128xi32, #tpu.memory_space<hbm>>
      %dma_start3A_16 = tpu.memref_squeeze %dma_start3A_15 : memref<1x40x128xi32, #tpu.memory_space<hbm>> -> memref<40x128xi32, #tpu.memory_space<hbm>>
      %dma_start3A_17 = arith.constant 0 : i32
      %dma_start3A_18 = arith.constant 0 : i32
      %dma_start3A_19 = tpu.memref_slice %arg3[%add3A, %dma_start3A_17, %dma_start3A_18] : memref<32x40x128xi32, #tpu.memory_space<hbm>> -> memref<1x40x128xi32, #tpu.memory_space<hbm>>
      %dma_start3A_20 = tpu.memref_squeeze %dma_start3A_19 : memref<1x40x128xi32, #tpu.memory_space<hbm>> -> memref<40x128xi32, #tpu.memory_space<hbm>>
      tpu.enqueue_dma source(%dma_start3A_20 : memref<40x128xi32, #tpu.memory_space<hbm>>) target(%arg6 : memref<40x128xi32, #tpu.memory_space<vmem>>) target_semaphore(%run_scoped3A : memref<!tpu.dma_semaphore, #tpu.memory_space<semaphore_mem>>)
      %dma_wait3A_21 = arith.constant 0 : i32
      %dma_wait3A_22 = arith.constant 0 : i32
      %dma_wait3A_23 = tpu.memref_slice %arg3[%add3A, %dma_wait3A_21, %dma_wait3A_22] : memref<32x40x128xi32, #tpu.memory_space<hbm>> -> memref<1x40x128xi32, #tpu.memory_space<hbm>>
      %dma_wait3A_24 = tpu.memref_squeeze %dma_wait3A_23 : memref<1x40x128xi32, #tpu.memory_space<hbm>> -> memref<40x128xi32, #tpu.memory_space<hbm>>
      %dma_wait3A_25 = arith.constant 0 : i32
      %dma_wait3A_26 = arith.constant 0 : i32
      %dma_wait3A_27 = tpu.memref_slice %arg3[%add3A, %dma_wait3A_25, %dma_wait3A_26] : memref<32x40x128xi32, #tpu.memory_space<hbm>> -> memref<1x40x128xi32, #tpu.memory_space<hbm>>
      %dma_wait3A_28 = tpu.memref_squeeze %dma_wait3A_27 : memref<1x40x128xi32, #tpu.memory_space<hbm>> -> memref<40x128xi32, #tpu.memory_space<hbm>>
      tpu.wait_dma2 semaphore(%run_scoped3A : memref<!tpu.dma_semaphore, #tpu.memory_space<semaphore_mem>>) src(%dma_wait3A_28 : memref<40x128xi32, #tpu.memory_space<hbm>>) dst(%arg6 : memref<40x128xi32, #tpu.memory_space<vmem>>)
      tpu.yield
    }) : () -> ()
    "tpu.region"() ({
      %run_scoped3A = tpu.sem_alloc : memref<!tpu.dma_semaphore, #tpu.memory_space<semaphore_mem>>
      %dma_start3A = arith.constant 0 : i32
      %dma_start3A_14 = arith.constant 0 : i32
      %dma_start3A_15 = tpu.memref_slice %arg4[%add3A, %dma_start3A, %dma_start3A_14] : memref<32x40x128xi32, #tpu.memory_space<hbm>> -> memref<1x40x128xi32, #tpu.memory_space<hbm>>
      %dma_start3A_16 = tpu.memref_squeeze %dma_start3A_15 : memref<1x40x128xi32, #tpu.memory_space<hbm>> -> memref<40x128xi32, #tpu.memory_space<hbm>>
      %dma_start3A_17 = arith.constant 0 : i32
      %dma_start3A_18 = arith.constant 0 : i32
      %dma_start3A_19 = tpu.memref_slice %arg4[%add3A, %dma_start3A_17, %dma_start3A_18] : memref<32x40x128xi32, #tpu.memory_space<hbm>> -> memref<1x40x128xi32, #tpu.memory_space<hbm>>
      %dma_start3A_20 = tpu.memref_squeeze %dma_start3A_19 : memref<1x40x128xi32, #tpu.memory_space<hbm>> -> memref<40x128xi32, #tpu.memory_space<hbm>>
      tpu.enqueue_dma source(%dma_start3A_20 : memref<40x128xi32, #tpu.memory_space<hbm>>) target(%arg7 : memref<40x128xi32, #tpu.memory_space<vmem>>) target_semaphore(%run_scoped3A : memref<!tpu.dma_semaphore, #tpu.memory_space<semaphore_mem>>)
      %dma_wait3A_21 = arith.constant 0 : i32
      %dma_wait3A_22 = arith.constant 0 : i32
      %dma_wait3A_23 = tpu.memref_slice %arg4[%add3A, %dma_wait3A_21, %dma_wait3A_22] : memref<32x40x128xi32, #tpu.memory_space<hbm>> -> memref<1x40x128xi32, #tpu.memory_space<hbm>>
      %dma_wait3A_24 = tpu.memref_squeeze %dma_wait3A_23 : memref<1x40x128xi32, #tpu.memory_space<hbm>> -> memref<40x128xi32, #tpu.memory_space<hbm>>
      %dma_wait3A_25 = arith.constant 0 : i32
      %dma_wait3A_26 = arith.constant 0 : i32
      %dma_wait3A_27 = tpu.memref_slice %arg4[%add3A, %dma_wait3A_25, %dma_wait3A_26] : memref<32x40x128xi32, #tpu.memory_space<hbm>> -> memref<1x40x128xi32, #tpu.memory_space<hbm>>
      %dma_wait3A_28 = tpu.memref_squeeze %dma_wait3A_27 : memref<1x40x128xi32, #tpu.memory_space<hbm>> -> memref<40x128xi32, #tpu.memory_space<hbm>>
      tpu.wait_dma2 semaphore(%run_scoped3A : memref<!tpu.dma_semaphore, #tpu.memory_space<semaphore_mem>>) src(%dma_wait3A_28 : memref<40x128xi32, #tpu.memory_space<hbm>>) dst(%arg7 : memref<40x128xi32, #tpu.memory_space<vmem>>)
      tpu.yield
    }) : () -> ()
    %barrier3A = arith.constant 0 : index
    tpu.barrier barrier_id(%barrier3A)
    %scan3A = arith.constant 0 : i32
    %scan3A_3 = arith.constant 20 : i32
    %scan3A_4 = arith.addi %scan3A, %scan3A_3 : i32
    %scan3A_5 = arith.constant 1 : i32
    scf.for %scan3A_14 = %scan3A to %scan3A_4 step %scan3A_5  : i32 {
      %mul3A_15 = arith.constant 2 : i32
      %mul3A_16 = arith.muli %scan3A_14, %mul3A_15 : i32
      %add3A_17 = arith.constant 0 : i32
      %add3A_18 = arith.addi %add3A_17, %mul3A_16 : i32
      "tpu.region"() ({
        %run_scoped3A = tpu.sem_alloc : memref<!tpu.dma_semaphore, #tpu.memory_space<semaphore_mem>>
        %dma_start3A_42 = arith.constant 0 : i32
        %dma_start3A_43 = tpu.memref_slice %arg6[%add3A_18, %dma_start3A_42] : memref<40x128xi32, #tpu.memory_space<vmem>> -> memref<1x128xi32, #tpu.memory_space<vmem>>
        %dma_start3A_44 = tpu.memref_squeeze %dma_start3A_43 : memref<1x128xi32, #tpu.memory_space<vmem>> -> memref<128xi32, #tpu.memory_space<vmem>>
        %dma_start3A_45 = arith.constant 0 : i32
        %dma_start3A_46 = arith.constant 0 : i32
        %dma_start3A_47 = tpu.memref_slice %arg13[%dma_start3A_45, %dma_start3A_46] : memref<10240x32xf32, #tpu.memory_space<vmem_shared>> -> memref<10240x32xf32, #tpu.memory_space<vmem_shared>>
        tpu.enqueue_indirect_dma source(%dma_start3A_47 : memref<10240x32xf32, #tpu.memory_space<vmem_shared>>) target(%arg8 : memref<128x32xf32, #tpu.memory_space<vmem>>) offsets(%dma_start3A_44 : memref<128xi32, #tpu.memory_space<vmem>>) semaphore(%run_scoped3A : memref<!tpu.dma_semaphore, #tpu.memory_space<semaphore_mem>>)
        %dma_wait3A_48 = arith.constant 0 : i32
        %dma_wait3A_49 = tpu.memref_slice %arg6[%add3A_18, %dma_wait3A_48] : memref<40x128xi32, #tpu.memory_space<vmem>> -> memref<1x128xi32, #tpu.memory_space<vmem>>
        %dma_wait3A_50 = tpu.memref_squeeze %dma_wait3A_49 : memref<1x128xi32, #tpu.memory_space<vmem>> -> memref<128xi32, #tpu.memory_space<vmem>>
        %dma_wait3A_51 = arith.constant 0 : i32
        %dma_wait3A_52 = arith.constant 0 : i32
        %dma_wait3A_53 = tpu.memref_slice %arg13[%dma_wait3A_51, %dma_wait3A_52] : memref<10240x32xf32, #tpu.memory_space<vmem_shared>> -> memref<10240x32xf32, #tpu.memory_space<vmem_shared>>
        tpu.wait_indirect_dma semaphore(%run_scoped3A : memref<!tpu.dma_semaphore, #tpu.memory_space<semaphore_mem>>) src(%dma_wait3A_53 : memref<10240x32xf32, #tpu.memory_space<vmem_shared>>) dst(%arg8 : memref<128x32xf32, #tpu.memory_space<vmem>>)
        tpu.yield
      }) : () -> ()
      %gt3A = arith.constant 0 : i32
      %gt3A_19 = arith.cmpi sgt, %add3A_18, %gt3A : i32
      %convert_element_type3A = arith.extui %gt3A_19 : i1 to i32
      %cond3A = arith.constant 0 : i32
      %cond3A_20 = arith.cmpi ne, %convert_element_type3A, %cond3A : i32
      scf.if %cond3A_20 {
        %sub3A = arith.constant 1 : i32
        %sub3A_42 = arith.subi %add3A_18, %sub3A : i32
        %dma_wait3A_43 = arith.constant 0 : i32
        %dma_wait3A_44 = tpu.memref_slice %arg7[%sub3A_42, %dma_wait3A_43] : memref<40x128xi32, #tpu.memory_space<vmem>> -> memref<1x128xi32, #tpu.memory_space<vmem>>
        %dma_wait3A_45 = tpu.memref_squeeze %dma_wait3A_44 : memref<1x128xi32, #tpu.memory_space<vmem>> -> memref<128xi32, #tpu.memory_space<vmem>>
        %dma_wait3A_46 = arith.constant 0 : i32
        %dma_wait3A_47 = arith.constant 0 : i32
        %dma_wait3A_48 = tpu.memref_slice %arg10[%dma_wait3A_46, %dma_wait3A_47] : memref<10240x32xf32, #tpu.memory_space<vmem_shared>> -> memref<10240x32xf32, #tpu.memory_space<vmem_shared>>
        tpu.wait_indirect_dma semaphore(%arg12 : memref<!tpu.dma_semaphore, #tpu.memory_space<semaphore_mem>>) src(%arg9 : memref<128x32xf32, #tpu.memory_space<vmem>>) dst(%dma_wait3A_48 : memref<10240x32xf32, #tpu.memory_space<vmem_shared>>)
      } else {
      }
      %dma_start3A = arith.constant 0 : i32
      %dma_start3A_21 = tpu.memref_slice %arg7[%add3A_18, %dma_start3A] : memref<40x128xi32, #tpu.memory_space<vmem>> -> memref<1x128xi32, #tpu.memory_space<vmem>>
      %dma_start3A_22 = tpu.memref_squeeze %dma_start3A_21 : memref<1x128xi32, #tpu.memory_space<vmem>> -> memref<128xi32, #tpu.memory_space<vmem>>
      %dma_start3A_23 = arith.constant 0 : i32
      %dma_start3A_24 = arith.constant 0 : i32
      %dma_start3A_25 = tpu.memref_slice %arg10[%dma_start3A_23, %dma_start3A_24] : memref<10240x32xf32, #tpu.memory_space<vmem_shared>> -> memref<10240x32xf32, #tpu.memory_space<vmem_shared>>
      tpu.enqueue_indirect_dma source(%arg8 : memref<128x32xf32, #tpu.memory_space<vmem>>) target(%dma_start3A_25 : memref<10240x32xf32, #tpu.memory_space<vmem_shared>>) offsets(%dma_start3A_22 : memref<128xi32, #tpu.memory_space<vmem>>) semaphore(%arg11 : memref<!tpu.dma_semaphore, #tpu.memory_space<semaphore_mem>>) {add = true}
      %add3A_26 = arith.constant 1 : i32
      %add3A_27 = arith.addi %add3A_18, %add3A_26 : i32
      "tpu.region"() ({
        %run_scoped3A = tpu.sem_alloc : memref<!tpu.dma_semaphore, #tpu.memory_space<semaphore_mem>>
        %dma_start3A_42 = arith.constant 0 : i32
        %dma_start3A_43 = tpu.memref_slice %arg6[%add3A_27, %dma_start3A_42] : memref<40x128xi32, #tpu.memory_space<vmem>> -> memref<1x128xi32, #tpu.memory_space<vmem>>
        %dma_start3A_44 = tpu.memref_squeeze %dma_start3A_43 : memref<1x128xi32, #tpu.memory_space<vmem>> -> memref<128xi32, #tpu.memory_space<vmem>>
        %dma_start3A_45 = arith.constant 0 : i32
        %dma_start3A_46 = arith.constant 0 : i32
        %dma_start3A_47 = tpu.memref_slice %arg13[%dma_start3A_45, %dma_start3A_46] : memref<10240x32xf32, #tpu.memory_space<vmem_shared>> -> memref<10240x32xf32, #tpu.memory_space<vmem_shared>>
        tpu.enqueue_indirect_dma source(%dma_start3A_47 : memref<10240x32xf32, #tpu.memory_space<vmem_shared>>) target(%arg9 : memref<128x32xf32, #tpu.memory_space<vmem>>) offsets(%dma_start3A_44 : memref<128xi32, #tpu.memory_space<vmem>>) semaphore(%run_scoped3A : memref<!tpu.dma_semaphore, #tpu.memory_space<semaphore_mem>>)
        %dma_wait3A_48 = arith.constant 0 : i32
        %dma_wait3A_49 = tpu.memref_slice %arg6[%add3A_27, %dma_wait3A_48] : memref<40x128xi32, #tpu.memory_space<vmem>> -> memref<1x128xi32, #tpu.memory_space<vmem>>
        %dma_wait3A_50 = tpu.memref_squeeze %dma_wait3A_49 : memref<1x128xi32, #tpu.memory_space<vmem>> -> memref<128xi32, #tpu.memory_space<vmem>>
        %dma_wait3A_51 = arith.constant 0 : i32
        %dma_wait3A_52 = arith.constant 0 : i32
        %dma_wait3A_53 = tpu.memref_slice %arg13[%dma_wait3A_51, %dma_wait3A_52] : memref<10240x32xf32, #tpu.memory_space<vmem_shared>> -> memref<10240x32xf32, #tpu.memory_space<vmem_shared>>
        tpu.wait_indirect_dma semaphore(%run_scoped3A : memref<!tpu.dma_semaphore, #tpu.memory_space<semaphore_mem>>) src(%dma_wait3A_53 : memref<10240x32xf32, #tpu.memory_space<vmem_shared>>) dst(%arg9 : memref<128x32xf32, #tpu.memory_space<vmem>>)
        tpu.yield
      }) : () -> ()
      %dma_wait3A_28 = arith.constant 0 : i32
      %dma_wait3A_29 = tpu.memref_slice %arg7[%add3A_18, %dma_wait3A_28] : memref<40x128xi32, #tpu.memory_space<vmem>> -> memref<1x128xi32, #tpu.memory_space<vmem>>
      %dma_wait3A_30 = tpu.memref_squeeze %dma_wait3A_29 : memref<1x128xi32, #tpu.memory_space<vmem>> -> memref<128xi32, #tpu.memory_space<vmem>>
      %dma_wait3A_31 = arith.constant 0 : i32
      %dma_wait3A_32 = arith.constant 0 : i32
      %dma_wait3A_33 = tpu.memref_slice %arg10[%dma_wait3A_31, %dma_wait3A_32] : memref<10240x32xf32, #tpu.memory_space<vmem_shared>> -> memref<10240x32xf32, #tpu.memory_space<vmem_shared>>
      tpu.wait_indirect_dma semaphore(%arg11 : memref<!tpu.dma_semaphore, #tpu.memory_space<semaphore_mem>>) src(%arg8 : memref<128x32xf32, #tpu.memory_space<vmem>>) dst(%dma_wait3A_33 : memref<10240x32xf32, #tpu.memory_space<vmem_shared>>)
      %add3A_34 = arith.constant 1 : i32
      %add3A_35 = arith.addi %add3A_18, %add3A_34 : i32
      %dma_start3A_36 = arith.constant 0 : i32
      %dma_start3A_37 = tpu.memref_slice %arg7[%add3A_35, %dma_start3A_36] : memref<40x128xi32, #tpu.memory_space<vmem>> -> memref<1x128xi32, #tpu.memory_space<vmem>>
      %dma_start3A_38 = tpu.memref_squeeze %dma_start3A_37 : memref<1x128xi32, #tpu.memory_space<vmem>> -> memref<128xi32, #tpu.memory_space<vmem>>
      %dma_start3A_39 = arith.constant 0 : i32
      %dma_start3A_40 = arith.constant 0 : i32
      %dma_start3A_41 = tpu.memref_slice %arg10[%dma_start3A_39, %dma_start3A_40] : memref<10240x32xf32, #tpu.memory_space<vmem_shared>> -> memref<10240x32xf32, #tpu.memory_space<vmem_shared>>
      tpu.enqueue_indirect_dma source(%arg9 : memref<128x32xf32, #tpu.memory_space<vmem>>) target(%dma_start3A_41 : memref<10240x32xf32, #tpu.memory_space<vmem_shared>>) offsets(%dma_start3A_38 : memref<128xi32, #tpu.memory_space<vmem>>) semaphore(%arg12 : memref<!tpu.dma_semaphore, #tpu.memory_space<semaphore_mem>>) {add = true}
    }
    %scan3A_6 = arith.constant 20 : i32
    %dma_wait3A = arith.constant 39 : i32
    %dma_wait3A_7 = arith.constant 0 : i32
    %dma_wait3A_8 = tpu.memref_slice %arg7[%dma_wait3A, %dma_wait3A_7] : memref<40x128xi32, #tpu.memory_space<vmem>> -> memref<1x128xi32, #tpu.memory_space<vmem>>
    %dma_wait3A_9 = tpu.memref_squeeze %dma_wait3A_8 : memref<1x128xi32, #tpu.memory_space<vmem>> -> memref<128xi32, #tpu.memory_space<vmem>>
    %dma_wait3A_10 = arith.constant 0 : i32
    %dma_wait3A_11 = arith.constant 0 : i32
    %dma_wait3A_12 = tpu.memref_slice %arg10[%dma_wait3A_10, %dma_wait3A_11] : memref<10240x32xf32, #tpu.memory_space<vmem_shared>> -> memref<10240x32xf32, #tpu.memory_space<vmem_shared>>
    tpu.wait_indirect_dma semaphore(%arg12 : memref<!tpu.dma_semaphore, #tpu.memory_space<semaphore_mem>>) src(%arg9 : memref<128x32xf32, #tpu.memory_space<vmem>>) dst(%dma_wait3A_12 : memref<10240x32xf32, #tpu.memory_space<vmem_shared>>)
    %barrier3A_13 = arith.constant 0 : index
    tpu.barrier barrier_id(%barrier3A_13)
    "tpu.region"() ({
      %run_scoped3A = tpu.sem_alloc : memref<!tpu.dma_semaphore, #tpu.memory_space<semaphore_mem>>
      %dma_start3A = arith.constant 0 : i32
      %dma_start3A_14 = tpu.memref_slice %arg5[%arg0, %mul3A_2, %dma_start3A] : memref<2x10240x32xf32, #tpu.memory_space<hbm>> -> memref<1x640x32xf32, #tpu.memory_space<hbm>>
      %dma_start3A_15 = tpu.memref_squeeze %dma_start3A_14 : memref<1x640x32xf32, #tpu.memory_space<hbm>> -> memref<640x32xf32, #tpu.memory_space<hbm>>
      %dma_start3A_16 = arith.constant 0 : i32
      %dma_start3A_17 = tpu.memref_slice %arg10[%mul3A_2, %dma_start3A_16] : memref<10240x32xf32, #tpu.memory_space<vmem_shared>> -> memref<640x32xf32, #tpu.memory_space<vmem_shared>>
      tpu.enqueue_dma source(%dma_start3A_17 : memref<640x32xf32, #tpu.memory_space<vmem_shared>>) target(%dma_start3A_15 : memref<640x32xf32, #tpu.memory_space<hbm>>) target_semaphore(%run_scoped3A : memref<!tpu.dma_semaphore, #tpu.memory_space<semaphore_mem>>)
      %dma_wait3A_18 = arith.constant 0 : i32
      %dma_wait3A_19 = tpu.memref_slice %arg5[%arg0, %mul3A_2, %dma_wait3A_18] : memref<2x10240x32xf32, #tpu.memory_space<hbm>> -> memref<1x640x32xf32, #tpu.memory_space<hbm>>
      %dma_wait3A_20 = tpu.memref_squeeze %dma_wait3A_19 : memref<1x640x32xf32, #tpu.memory_space<hbm>> -> memref<640x32xf32, #tpu.memory_space<hbm>>
      %dma_wait3A_21 = arith.constant 0 : i32
      %dma_wait3A_22 = tpu.memref_slice %arg10[%mul3A_2, %dma_wait3A_21] : memref<10240x32xf32, #tpu.memory_space<vmem_shared>> -> memref<640x32xf32, #tpu.memory_space<vmem_shared>>
      tpu.wait_dma2 semaphore(%run_scoped3A : memref<!tpu.dma_semaphore, #tpu.memory_space<semaphore_mem>>) src(%dma_wait3A_22 : memref<640x32xf32, #tpu.memory_space<vmem_shared>>) dst(%dma_wait3A_20 : memref<640x32xf32, #tpu.memory_space<hbm>>)
      tpu.yield
    }) : () -> ()
    return
  }
}

#map = affine_map<(d0, d1) -> (0, 0, 0)>
#map1 = affine_map<(d0, d1) -> (0, 0)>
module attributes {stable_mosaic.version = 14 : i64} {
  func.func @deg(%arg0: i32, %arg1: i32, %arg2: memref<32x40x128xi32, #tpu.memory_space<hbm>>, %arg3: memref<128x16xf32, #tpu.memory_space<hbm>>, %arg4: memref<10240x16xf32, #tpu.memory_space<hbm>>, %arg5: memref<2x10240x16xf32, #tpu.memory_space<hbm>>, %arg6: memref<40x128xi32, #tpu.memory_space<vmem>>, %arg7: memref<128x16xf32, #tpu.memory_space<vmem>>, %arg8: memref<10240x16xf32, #tpu.memory_space<vmem_shared>>) attributes {dimension_semantics = [#tpu.dimension_semantics<core_parallel>, #tpu.dimension_semantics<subcore_parallel>], iteration_bounds = array<i64: 2, 16>, scalar_prefetch = 0 : i64, scratch_operands = 3 : i64, tpu.core_type = #tpu.core_type<sc_vector_subcore>, window_params = [{transform_indices = #map}, {transform_indices = #map1}, {transform_indices = #map1}, {transform_indices = #map}]} {
    %mul3A = arith.constant 2 : i32
    %mul3A_0 = arith.muli %arg1, %mul3A : i32
    %add3A = arith.addi %mul3A_0, %arg0 : i32
    %mul3A_1 = arith.constant 640 : i32
    %mul3A_2 = arith.muli %arg1, %mul3A_1 : i32
    "tpu.region"() ({
      %run_scoped3A = tpu.sem_alloc : memref<!tpu.dma_semaphore, #tpu.memory_space<semaphore_mem>>
      %dma_start3A = arith.constant 0 : i32
      %dma_start3A_8 = tpu.memref_slice %arg8[%mul3A_2, %dma_start3A] : memref<10240x16xf32, #tpu.memory_space<vmem_shared>> -> memref<640x16xf32, #tpu.memory_space<vmem_shared>>
      %dma_start3A_9 = arith.constant 0 : i32
      %dma_start3A_10 = tpu.memref_slice %arg4[%mul3A_2, %dma_start3A_9] : memref<10240x16xf32, #tpu.memory_space<hbm>> -> memref<640x16xf32, #tpu.memory_space<hbm>>
      tpu.enqueue_dma source(%dma_start3A_10 : memref<640x16xf32, #tpu.memory_space<hbm>>) target(%dma_start3A_8 : memref<640x16xf32, #tpu.memory_space<vmem_shared>>) target_semaphore(%run_scoped3A : memref<!tpu.dma_semaphore, #tpu.memory_space<semaphore_mem>>)
      %dma_wait3A = arith.constant 0 : i32
      %dma_wait3A_11 = tpu.memref_slice %arg8[%mul3A_2, %dma_wait3A] : memref<10240x16xf32, #tpu.memory_space<vmem_shared>> -> memref<640x16xf32, #tpu.memory_space<vmem_shared>>
      %dma_wait3A_12 = arith.constant 0 : i32
      %dma_wait3A_13 = tpu.memref_slice %arg4[%mul3A_2, %dma_wait3A_12] : memref<10240x16xf32, #tpu.memory_space<hbm>> -> memref<640x16xf32, #tpu.memory_space<hbm>>
      tpu.wait_dma2 semaphore(%run_scoped3A : memref<!tpu.dma_semaphore, #tpu.memory_space<semaphore_mem>>) src(%dma_wait3A_13 : memref<640x16xf32, #tpu.memory_space<hbm>>) dst(%dma_wait3A_11 : memref<640x16xf32, #tpu.memory_space<vmem_shared>>)
      tpu.yield
    }) : () -> ()
    "tpu.region"() ({
      %run_scoped3A = tpu.sem_alloc : memref<!tpu.dma_semaphore, #tpu.memory_space<semaphore_mem>>
      %dma_start3A = arith.constant 0 : i32
      %dma_start3A_8 = arith.constant 0 : i32
      %dma_start3A_9 = tpu.memref_slice %arg2[%add3A, %dma_start3A, %dma_start3A_8] : memref<32x40x128xi32, #tpu.memory_space<hbm>> -> memref<1x40x128xi32, #tpu.memory_space<hbm>>
      %dma_start3A_10 = tpu.memref_squeeze %dma_start3A_9 : memref<1x40x128xi32, #tpu.memory_space<hbm>> -> memref<40x128xi32, #tpu.memory_space<hbm>>
      %dma_start3A_11 = arith.constant 0 : i32
      %dma_start3A_12 = arith.constant 0 : i32
      %dma_start3A_13 = tpu.memref_slice %arg2[%add3A, %dma_start3A_11, %dma_start3A_12] : memref<32x40x128xi32, #tpu.memory_space<hbm>> -> memref<1x40x128xi32, #tpu.memory_space<hbm>>
      %dma_start3A_14 = tpu.memref_squeeze %dma_start3A_13 : memref<1x40x128xi32, #tpu.memory_space<hbm>> -> memref<40x128xi32, #tpu.memory_space<hbm>>
      tpu.enqueue_dma source(%dma_start3A_14 : memref<40x128xi32, #tpu.memory_space<hbm>>) target(%arg6 : memref<40x128xi32, #tpu.memory_space<vmem>>) target_semaphore(%run_scoped3A : memref<!tpu.dma_semaphore, #tpu.memory_space<semaphore_mem>>)
      %dma_wait3A = arith.constant 0 : i32
      %dma_wait3A_15 = arith.constant 0 : i32
      %dma_wait3A_16 = tpu.memref_slice %arg2[%add3A, %dma_wait3A, %dma_wait3A_15] : memref<32x40x128xi32, #tpu.memory_space<hbm>> -> memref<1x40x128xi32, #tpu.memory_space<hbm>>
      %dma_wait3A_17 = tpu.memref_squeeze %dma_wait3A_16 : memref<1x40x128xi32, #tpu.memory_space<hbm>> -> memref<40x128xi32, #tpu.memory_space<hbm>>
      %dma_wait3A_18 = arith.constant 0 : i32
      %dma_wait3A_19 = arith.constant 0 : i32
      %dma_wait3A_20 = tpu.memref_slice %arg2[%add3A, %dma_wait3A_18, %dma_wait3A_19] : memref<32x40x128xi32, #tpu.memory_space<hbm>> -> memref<1x40x128xi32, #tpu.memory_space<hbm>>
      %dma_wait3A_21 = tpu.memref_squeeze %dma_wait3A_20 : memref<1x40x128xi32, #tpu.memory_space<hbm>> -> memref<40x128xi32, #tpu.memory_space<hbm>>
      tpu.wait_dma2 semaphore(%run_scoped3A : memref<!tpu.dma_semaphore, #tpu.memory_space<semaphore_mem>>) src(%dma_wait3A_21 : memref<40x128xi32, #tpu.memory_space<hbm>>) dst(%arg6 : memref<40x128xi32, #tpu.memory_space<vmem>>)
      tpu.yield
    }) : () -> ()
    "tpu.region"() ({
      %run_scoped3A = tpu.sem_alloc : memref<!tpu.dma_semaphore, #tpu.memory_space<semaphore_mem>>
      tpu.enqueue_dma source(%arg3 : memref<128x16xf32, #tpu.memory_space<hbm>>) target(%arg7 : memref<128x16xf32, #tpu.memory_space<vmem>>) target_semaphore(%run_scoped3A : memref<!tpu.dma_semaphore, #tpu.memory_space<semaphore_mem>>)
      tpu.wait_dma2 semaphore(%run_scoped3A : memref<!tpu.dma_semaphore, #tpu.memory_space<semaphore_mem>>) src(%arg3 : memref<128x16xf32, #tpu.memory_space<hbm>>) dst(%arg7 : memref<128x16xf32, #tpu.memory_space<vmem>>)
      tpu.yield
    }) : () -> ()
    %barrier3A = arith.constant 0 : index
    tpu.barrier barrier_id(%barrier3A)
    %scan3A = arith.constant 0 : i32
    %scan3A_3 = arith.constant 40 : i32
    %scan3A_4 = arith.addi %scan3A, %scan3A_3 : i32
    %scan3A_5 = arith.constant 1 : i32
    scf.for %scan3A_8 = %scan3A to %scan3A_4 step %scan3A_5  : i32 {
      %mul3A_9 = arith.constant 1 : i32
      %mul3A_10 = arith.muli %scan3A_8, %mul3A_9 : i32
      %add3A_11 = arith.constant 0 : i32
      %add3A_12 = arith.addi %add3A_11, %mul3A_10 : i32
      "tpu.region"() ({
        %run_scoped3A = tpu.sem_alloc : memref<!tpu.dma_semaphore, #tpu.memory_space<semaphore_mem>>
        %dma_start3A = arith.constant 0 : i32
        %dma_start3A_13 = tpu.memref_slice %arg6[%add3A_12, %dma_start3A] : memref<40x128xi32, #tpu.memory_space<vmem>> -> memref<1x128xi32, #tpu.memory_space<vmem>>
        %dma_start3A_14 = tpu.memref_squeeze %dma_start3A_13 : memref<1x128xi32, #tpu.memory_space<vmem>> -> memref<128xi32, #tpu.memory_space<vmem>>
        %dma_start3A_15 = arith.constant 0 : i32
        %dma_start3A_16 = arith.constant 0 : i32
        %dma_start3A_17 = tpu.memref_slice %arg8[%dma_start3A_15, %dma_start3A_16] : memref<10240x16xf32, #tpu.memory_space<vmem_shared>> -> memref<10240x16xf32, #tpu.memory_space<vmem_shared>>
        tpu.enqueue_indirect_dma source(%arg7 : memref<128x16xf32, #tpu.memory_space<vmem>>) target(%dma_start3A_17 : memref<10240x16xf32, #tpu.memory_space<vmem_shared>>) offsets(%dma_start3A_14 : memref<128xi32, #tpu.memory_space<vmem>>) semaphore(%run_scoped3A : memref<!tpu.dma_semaphore, #tpu.memory_space<semaphore_mem>>) {add = true}
        %dma_wait3A = arith.constant 0 : i32
        %dma_wait3A_18 = tpu.memref_slice %arg6[%add3A_12, %dma_wait3A] : memref<40x128xi32, #tpu.memory_space<vmem>> -> memref<1x128xi32, #tpu.memory_space<vmem>>
        %dma_wait3A_19 = tpu.memref_squeeze %dma_wait3A_18 : memref<1x128xi32, #tpu.memory_space<vmem>> -> memref<128xi32, #tpu.memory_space<vmem>>
        %dma_wait3A_20 = arith.constant 0 : i32
        %dma_wait3A_21 = arith.constant 0 : i32
        %dma_wait3A_22 = tpu.memref_slice %arg8[%dma_wait3A_20, %dma_wait3A_21] : memref<10240x16xf32, #tpu.memory_space<vmem_shared>> -> memref<10240x16xf32, #tpu.memory_space<vmem_shared>>
        tpu.wait_indirect_dma semaphore(%run_scoped3A : memref<!tpu.dma_semaphore, #tpu.memory_space<semaphore_mem>>) src(%arg7 : memref<128x16xf32, #tpu.memory_space<vmem>>) dst(%dma_wait3A_22 : memref<10240x16xf32, #tpu.memory_space<vmem_shared>>)
        tpu.yield
      }) : () -> ()
    }
    %scan3A_6 = arith.constant 40 : i32
    %barrier3A_7 = arith.constant 0 : index
    tpu.barrier barrier_id(%barrier3A_7)
    "tpu.region"() ({
      %run_scoped3A = tpu.sem_alloc : memref<!tpu.dma_semaphore, #tpu.memory_space<semaphore_mem>>
      %dma_start3A = arith.constant 0 : i32
      %dma_start3A_8 = tpu.memref_slice %arg5[%arg0, %mul3A_2, %dma_start3A] : memref<2x10240x16xf32, #tpu.memory_space<hbm>> -> memref<1x640x16xf32, #tpu.memory_space<hbm>>
      %dma_start3A_9 = tpu.memref_squeeze %dma_start3A_8 : memref<1x640x16xf32, #tpu.memory_space<hbm>> -> memref<640x16xf32, #tpu.memory_space<hbm>>
      %dma_start3A_10 = arith.constant 0 : i32
      %dma_start3A_11 = tpu.memref_slice %arg8[%mul3A_2, %dma_start3A_10] : memref<10240x16xf32, #tpu.memory_space<vmem_shared>> -> memref<640x16xf32, #tpu.memory_space<vmem_shared>>
      tpu.enqueue_dma source(%dma_start3A_11 : memref<640x16xf32, #tpu.memory_space<vmem_shared>>) target(%dma_start3A_9 : memref<640x16xf32, #tpu.memory_space<hbm>>) target_semaphore(%run_scoped3A : memref<!tpu.dma_semaphore, #tpu.memory_space<semaphore_mem>>)
      %dma_wait3A = arith.constant 0 : i32
      %dma_wait3A_12 = tpu.memref_slice %arg5[%arg0, %mul3A_2, %dma_wait3A] : memref<2x10240x16xf32, #tpu.memory_space<hbm>> -> memref<1x640x16xf32, #tpu.memory_space<hbm>>
      %dma_wait3A_13 = tpu.memref_squeeze %dma_wait3A_12 : memref<1x640x16xf32, #tpu.memory_space<hbm>> -> memref<640x16xf32, #tpu.memory_space<hbm>>
      %dma_wait3A_14 = arith.constant 0 : i32
      %dma_wait3A_15 = tpu.memref_slice %arg8[%mul3A_2, %dma_wait3A_14] : memref<10240x16xf32, #tpu.memory_space<vmem_shared>> -> memref<640x16xf32, #tpu.memory_space<vmem_shared>>
      tpu.wait_dma2 semaphore(%run_scoped3A : memref<!tpu.dma_semaphore, #tpu.memory_space<semaphore_mem>>) src(%dma_wait3A_15 : memref<640x16xf32, #tpu.memory_space<vmem_shared>>) dst(%dma_wait3A_13 : memref<640x16xf32, #tpu.memory_space<hbm>>)
      tpu.yield
    }) : () -> ()
    return
  }
}

#map = affine_map<(d0, d1) -> (0, 0)>
#map1 = affine_map<(d0, d1) -> (0, 0, 0)>
module attributes {stable_mosaic.version = 14 : i64} {
  func.func @prop(%arg0: i32, %arg1: i32, %arg2: memref<10240x64xf32, #tpu.memory_space<hbm>>, %arg3: memref<10240x64xf32, #tpu.memory_space<hbm>>, %arg4: memref<32x40x128xi32, #tpu.memory_space<hbm>>, %arg5: memref<32x40x128xi32, #tpu.memory_space<hbm>>, %arg6: memref<2x10240x64xf32, #tpu.memory_space<hbm>>, %arg7: memref<2x10240x64xf32, #tpu.memory_space<hbm>>, %arg8: memref<40x128xi32, #tpu.memory_space<vmem>>, %arg9: memref<40x128xi32, #tpu.memory_space<vmem>>, %arg10: memref<128x64xf32, #tpu.memory_space<vmem>>, %arg11: memref<128x64xf32, #tpu.memory_space<vmem>>, %arg12: memref<10240x64xf32, #tpu.memory_space<vmem_shared>>, %arg13: memref<10240x64xf32, #tpu.memory_space<vmem_shared>>, %arg14: memref<!tpu.dma_semaphore, #tpu.memory_space<semaphore_mem>>, %arg15: memref<!tpu.dma_semaphore, #tpu.memory_space<semaphore_mem>>) attributes {dimension_semantics = [#tpu.dimension_semantics<core_parallel>, #tpu.dimension_semantics<subcore_parallel>], iteration_bounds = array<i64: 2, 16>, scalar_prefetch = 0 : i64, scratch_operands = 8 : i64, tpu.core_type = #tpu.core_type<sc_vector_subcore>, window_params = [{transform_indices = #map}, {transform_indices = #map}, {transform_indices = #map1}, {transform_indices = #map1}, {transform_indices = #map1}, {transform_indices = #map1}]} {
    %mul3A = arith.constant 2 : i32
    %mul3A_0 = arith.muli %arg1, %mul3A : i32
    %add3A = arith.addi %mul3A_0, %arg0 : i32
    %mul3A_1 = arith.constant 640 : i32
    %mul3A_2 = arith.muli %arg1, %mul3A_1 : i32
    "tpu.region"() ({
      %run_scoped3A = tpu.sem_alloc : memref<!tpu.dma_semaphore, #tpu.memory_space<semaphore_mem>>
      %dma_start3A = arith.constant 0 : i32
      %dma_start3A_29 = arith.constant 0 : i32
      %dma_start3A_30 = tpu.memref_slice %arg4[%add3A, %dma_start3A, %dma_start3A_29] : memref<32x40x128xi32, #tpu.memory_space<hbm>> -> memref<1x40x128xi32, #tpu.memory_space<hbm>>
      %dma_start3A_31 = tpu.memref_squeeze %dma_start3A_30 : memref<1x40x128xi32, #tpu.memory_space<hbm>> -> memref<40x128xi32, #tpu.memory_space<hbm>>
      %dma_start3A_32 = arith.constant 0 : i32
      %dma_start3A_33 = arith.constant 0 : i32
      %dma_start3A_34 = tpu.memref_slice %arg4[%add3A, %dma_start3A_32, %dma_start3A_33] : memref<32x40x128xi32, #tpu.memory_space<hbm>> -> memref<1x40x128xi32, #tpu.memory_space<hbm>>
      %dma_start3A_35 = tpu.memref_squeeze %dma_start3A_34 : memref<1x40x128xi32, #tpu.memory_space<hbm>> -> memref<40x128xi32, #tpu.memory_space<hbm>>
      tpu.enqueue_dma source(%dma_start3A_35 : memref<40x128xi32, #tpu.memory_space<hbm>>) target(%arg8 : memref<40x128xi32, #tpu.memory_space<vmem>>) target_semaphore(%run_scoped3A : memref<!tpu.dma_semaphore, #tpu.memory_space<semaphore_mem>>)
      %dma_wait3A_36 = arith.constant 0 : i32
      %dma_wait3A_37 = arith.constant 0 : i32
      %dma_wait3A_38 = tpu.memref_slice %arg4[%add3A, %dma_wait3A_36, %dma_wait3A_37] : memref<32x40x128xi32, #tpu.memory_space<hbm>> -> memref<1x40x128xi32, #tpu.memory_space<hbm>>
      %dma_wait3A_39 = tpu.memref_squeeze %dma_wait3A_38 : memref<1x40x128xi32, #tpu.memory_space<hbm>> -> memref<40x128xi32, #tpu.memory_space<hbm>>
      %dma_wait3A_40 = arith.constant 0 : i32
      %dma_wait3A_41 = arith.constant 0 : i32
      %dma_wait3A_42 = tpu.memref_slice %arg4[%add3A, %dma_wait3A_40, %dma_wait3A_41] : memref<32x40x128xi32, #tpu.memory_space<hbm>> -> memref<1x40x128xi32, #tpu.memory_space<hbm>>
      %dma_wait3A_43 = tpu.memref_squeeze %dma_wait3A_42 : memref<1x40x128xi32, #tpu.memory_space<hbm>> -> memref<40x128xi32, #tpu.memory_space<hbm>>
      tpu.wait_dma2 semaphore(%run_scoped3A : memref<!tpu.dma_semaphore, #tpu.memory_space<semaphore_mem>>) src(%dma_wait3A_43 : memref<40x128xi32, #tpu.memory_space<hbm>>) dst(%arg8 : memref<40x128xi32, #tpu.memory_space<vmem>>)
      tpu.yield
    }) : () -> ()
    "tpu.region"() ({
      %run_scoped3A = tpu.sem_alloc : memref<!tpu.dma_semaphore, #tpu.memory_space<semaphore_mem>>
      %dma_start3A = arith.constant 0 : i32
      %dma_start3A_29 = arith.constant 0 : i32
      %dma_start3A_30 = tpu.memref_slice %arg5[%add3A, %dma_start3A, %dma_start3A_29] : memref<32x40x128xi32, #tpu.memory_space<hbm>> -> memref<1x40x128xi32, #tpu.memory_space<hbm>>
      %dma_start3A_31 = tpu.memref_squeeze %dma_start3A_30 : memref<1x40x128xi32, #tpu.memory_space<hbm>> -> memref<40x128xi32, #tpu.memory_space<hbm>>
      %dma_start3A_32 = arith.constant 0 : i32
      %dma_start3A_33 = arith.constant 0 : i32
      %dma_start3A_34 = tpu.memref_slice %arg5[%add3A, %dma_start3A_32, %dma_start3A_33] : memref<32x40x128xi32, #tpu.memory_space<hbm>> -> memref<1x40x128xi32, #tpu.memory_space<hbm>>
      %dma_start3A_35 = tpu.memref_squeeze %dma_start3A_34 : memref<1x40x128xi32, #tpu.memory_space<hbm>> -> memref<40x128xi32, #tpu.memory_space<hbm>>
      tpu.enqueue_dma source(%dma_start3A_35 : memref<40x128xi32, #tpu.memory_space<hbm>>) target(%arg9 : memref<40x128xi32, #tpu.memory_space<vmem>>) target_semaphore(%run_scoped3A : memref<!tpu.dma_semaphore, #tpu.memory_space<semaphore_mem>>)
      %dma_wait3A_36 = arith.constant 0 : i32
      %dma_wait3A_37 = arith.constant 0 : i32
      %dma_wait3A_38 = tpu.memref_slice %arg5[%add3A, %dma_wait3A_36, %dma_wait3A_37] : memref<32x40x128xi32, #tpu.memory_space<hbm>> -> memref<1x40x128xi32, #tpu.memory_space<hbm>>
      %dma_wait3A_39 = tpu.memref_squeeze %dma_wait3A_38 : memref<1x40x128xi32, #tpu.memory_space<hbm>> -> memref<40x128xi32, #tpu.memory_space<hbm>>
      %dma_wait3A_40 = arith.constant 0 : i32
      %dma_wait3A_41 = arith.constant 0 : i32
      %dma_wait3A_42 = tpu.memref_slice %arg5[%add3A, %dma_wait3A_40, %dma_wait3A_41] : memref<32x40x128xi32, #tpu.memory_space<hbm>> -> memref<1x40x128xi32, #tpu.memory_space<hbm>>
      %dma_wait3A_43 = tpu.memref_squeeze %dma_wait3A_42 : memref<1x40x128xi32, #tpu.memory_space<hbm>> -> memref<40x128xi32, #tpu.memory_space<hbm>>
      tpu.wait_dma2 semaphore(%run_scoped3A : memref<!tpu.dma_semaphore, #tpu.memory_space<semaphore_mem>>) src(%dma_wait3A_43 : memref<40x128xi32, #tpu.memory_space<hbm>>) dst(%arg9 : memref<40x128xi32, #tpu.memory_space<vmem>>)
      tpu.yield
    }) : () -> ()
    "tpu.region"() ({
      %run_scoped3A = tpu.sem_alloc : memref<!tpu.dma_semaphore, #tpu.memory_space<semaphore_mem>>
      %dma_start3A = arith.constant 0 : i32
      %dma_start3A_29 = tpu.memref_slice %arg12[%mul3A_2, %dma_start3A] : memref<10240x64xf32, #tpu.memory_space<vmem_shared>> -> memref<640x64xf32, #tpu.memory_space<vmem_shared>>
      %dma_start3A_30 = arith.constant 0 : i32
      %dma_start3A_31 = tpu.memref_slice %arg2[%mul3A_2, %dma_start3A_30] : memref<10240x64xf32, #tpu.memory_space<hbm>> -> memref<640x64xf32, #tpu.memory_space<hbm>>
      tpu.enqueue_dma source(%dma_start3A_31 : memref<640x64xf32, #tpu.memory_space<hbm>>) target(%dma_start3A_29 : memref<640x64xf32, #tpu.memory_space<vmem_shared>>) target_semaphore(%run_scoped3A : memref<!tpu.dma_semaphore, #tpu.memory_space<semaphore_mem>>)
      %dma_wait3A_32 = arith.constant 0 : i32
      %dma_wait3A_33 = tpu.memref_slice %arg12[%mul3A_2, %dma_wait3A_32] : memref<10240x64xf32, #tpu.memory_space<vmem_shared>> -> memref<640x64xf32, #tpu.memory_space<vmem_shared>>
      %dma_wait3A_34 = arith.constant 0 : i32
      %dma_wait3A_35 = tpu.memref_slice %arg2[%mul3A_2, %dma_wait3A_34] : memref<10240x64xf32, #tpu.memory_space<hbm>> -> memref<640x64xf32, #tpu.memory_space<hbm>>
      tpu.wait_dma2 semaphore(%run_scoped3A : memref<!tpu.dma_semaphore, #tpu.memory_space<semaphore_mem>>) src(%dma_wait3A_35 : memref<640x64xf32, #tpu.memory_space<hbm>>) dst(%dma_wait3A_33 : memref<640x64xf32, #tpu.memory_space<vmem_shared>>)
      tpu.yield
    }) : () -> ()
    "tpu.region"() ({
      %run_scoped3A = tpu.sem_alloc : memref<!tpu.dma_semaphore, #tpu.memory_space<semaphore_mem>>
      %dma_start3A = arith.constant 0 : i32
      %dma_start3A_29 = tpu.memref_slice %arg13[%mul3A_2, %dma_start3A] : memref<10240x64xf32, #tpu.memory_space<vmem_shared>> -> memref<640x64xf32, #tpu.memory_space<vmem_shared>>
      %dma_start3A_30 = arith.constant 0 : i32
      %dma_start3A_31 = tpu.memref_slice %arg2[%mul3A_2, %dma_start3A_30] : memref<10240x64xf32, #tpu.memory_space<hbm>> -> memref<640x64xf32, #tpu.memory_space<hbm>>
      tpu.enqueue_dma source(%dma_start3A_31 : memref<640x64xf32, #tpu.memory_space<hbm>>) target(%dma_start3A_29 : memref<640x64xf32, #tpu.memory_space<vmem_shared>>) target_semaphore(%run_scoped3A : memref<!tpu.dma_semaphore, #tpu.memory_space<semaphore_mem>>)
      %dma_wait3A_32 = arith.constant 0 : i32
      %dma_wait3A_33 = tpu.memref_slice %arg13[%mul3A_2, %dma_wait3A_32] : memref<10240x64xf32, #tpu.memory_space<vmem_shared>> -> memref<640x64xf32, #tpu.memory_space<vmem_shared>>
      %dma_wait3A_34 = arith.constant 0 : i32
      %dma_wait3A_35 = tpu.memref_slice %arg2[%mul3A_2, %dma_wait3A_34] : memref<10240x64xf32, #tpu.memory_space<hbm>> -> memref<640x64xf32, #tpu.memory_space<hbm>>
      tpu.wait_dma2 semaphore(%run_scoped3A : memref<!tpu.dma_semaphore, #tpu.memory_space<semaphore_mem>>) src(%dma_wait3A_35 : memref<640x64xf32, #tpu.memory_space<hbm>>) dst(%dma_wait3A_33 : memref<640x64xf32, #tpu.memory_space<vmem_shared>>)
      tpu.yield
    }) : () -> ()
    %barrier3A = arith.constant 0 : index
    tpu.barrier barrier_id(%barrier3A)
    %scan3A = arith.constant 0 : i32
    %scan3A_3 = arith.constant 20 : i32
    %scan3A_4 = arith.addi %scan3A, %scan3A_3 : i32
    %scan3A_5 = arith.constant 1 : i32
    scf.for %scan3A_29 = %scan3A to %scan3A_4 step %scan3A_5  : i32 {
      %mul3A_30 = arith.constant 2 : i32
      %mul3A_31 = arith.muli %scan3A_29, %mul3A_30 : i32
      %add3A_32 = arith.constant 0 : i32
      %add3A_33 = arith.addi %add3A_32, %mul3A_31 : i32
      "tpu.region"() ({
        %run_scoped3A = tpu.sem_alloc : memref<!tpu.dma_semaphore, #tpu.memory_space<semaphore_mem>>
        %dma_start3A_57 = arith.constant 0 : i32
        %dma_start3A_58 = tpu.memref_slice %arg8[%add3A_33, %dma_start3A_57] : memref<40x128xi32, #tpu.memory_space<vmem>> -> memref<1x128xi32, #tpu.memory_space<vmem>>
        %dma_start3A_59 = tpu.memref_squeeze %dma_start3A_58 : memref<1x128xi32, #tpu.memory_space<vmem>> -> memref<128xi32, #tpu.memory_space<vmem>>
        %dma_start3A_60 = arith.constant 0 : i32
        %dma_start3A_61 = arith.constant 0 : i32
        %dma_start3A_62 = tpu.memref_slice %arg13[%dma_start3A_60, %dma_start3A_61] : memref<10240x64xf32, #tpu.memory_space<vmem_shared>> -> memref<10240x64xf32, #tpu.memory_space<vmem_shared>>
        tpu.enqueue_indirect_dma source(%dma_start3A_62 : memref<10240x64xf32, #tpu.memory_space<vmem_shared>>) target(%arg10 : memref<128x64xf32, #tpu.memory_space<vmem>>) offsets(%dma_start3A_59 : memref<128xi32, #tpu.memory_space<vmem>>) semaphore(%run_scoped3A : memref<!tpu.dma_semaphore, #tpu.memory_space<semaphore_mem>>)
        %dma_wait3A_63 = arith.constant 0 : i32
        %dma_wait3A_64 = tpu.memref_slice %arg8[%add3A_33, %dma_wait3A_63] : memref<40x128xi32, #tpu.memory_space<vmem>> -> memref<1x128xi32, #tpu.memory_space<vmem>>
        %dma_wait3A_65 = tpu.memref_squeeze %dma_wait3A_64 : memref<1x128xi32, #tpu.memory_space<vmem>> -> memref<128xi32, #tpu.memory_space<vmem>>
        %dma_wait3A_66 = arith.constant 0 : i32
        %dma_wait3A_67 = arith.constant 0 : i32
        %dma_wait3A_68 = tpu.memref_slice %arg13[%dma_wait3A_66, %dma_wait3A_67] : memref<10240x64xf32, #tpu.memory_space<vmem_shared>> -> memref<10240x64xf32, #tpu.memory_space<vmem_shared>>
        tpu.wait_indirect_dma semaphore(%run_scoped3A : memref<!tpu.dma_semaphore, #tpu.memory_space<semaphore_mem>>) src(%dma_wait3A_68 : memref<10240x64xf32, #tpu.memory_space<vmem_shared>>) dst(%arg10 : memref<128x64xf32, #tpu.memory_space<vmem>>)
        tpu.yield
      }) : () -> ()
      %gt3A = arith.constant 0 : i32
      %gt3A_34 = arith.cmpi sgt, %add3A_33, %gt3A : i32
      %convert_element_type3A = arith.extui %gt3A_34 : i1 to i32
      %cond3A = arith.constant 0 : i32
      %cond3A_35 = arith.cmpi ne, %convert_element_type3A, %cond3A : i32
      scf.if %cond3A_35 {
        %sub3A = arith.constant 1 : i32
        %sub3A_57 = arith.subi %add3A_33, %sub3A : i32
        %dma_wait3A_58 = arith.constant 0 : i32
        %dma_wait3A_59 = tpu.memref_slice %arg9[%sub3A_57, %dma_wait3A_58] : memref<40x128xi32, #tpu.memory_space<vmem>> -> memref<1x128xi32, #tpu.memory_space<vmem>>
        %dma_wait3A_60 = tpu.memref_squeeze %dma_wait3A_59 : memref<1x128xi32, #tpu.memory_space<vmem>> -> memref<128xi32, #tpu.memory_space<vmem>>
        %dma_wait3A_61 = arith.constant 0 : i32
        %dma_wait3A_62 = arith.constant 0 : i32
        %dma_wait3A_63 = tpu.memref_slice %arg12[%dma_wait3A_61, %dma_wait3A_62] : memref<10240x64xf32, #tpu.memory_space<vmem_shared>> -> memref<10240x64xf32, #tpu.memory_space<vmem_shared>>
        tpu.wait_indirect_dma semaphore(%arg15 : memref<!tpu.dma_semaphore, #tpu.memory_space<semaphore_mem>>) src(%arg11 : memref<128x64xf32, #tpu.memory_space<vmem>>) dst(%dma_wait3A_63 : memref<10240x64xf32, #tpu.memory_space<vmem_shared>>)
      } else {
      }
      %dma_start3A = arith.constant 0 : i32
      %dma_start3A_36 = tpu.memref_slice %arg9[%add3A_33, %dma_start3A] : memref<40x128xi32, #tpu.memory_space<vmem>> -> memref<1x128xi32, #tpu.memory_space<vmem>>
      %dma_start3A_37 = tpu.memref_squeeze %dma_start3A_36 : memref<1x128xi32, #tpu.memory_space<vmem>> -> memref<128xi32, #tpu.memory_space<vmem>>
      %dma_start3A_38 = arith.constant 0 : i32
      %dma_start3A_39 = arith.constant 0 : i32
      %dma_start3A_40 = tpu.memref_slice %arg12[%dma_start3A_38, %dma_start3A_39] : memref<10240x64xf32, #tpu.memory_space<vmem_shared>> -> memref<10240x64xf32, #tpu.memory_space<vmem_shared>>
      tpu.enqueue_indirect_dma source(%arg10 : memref<128x64xf32, #tpu.memory_space<vmem>>) target(%dma_start3A_40 : memref<10240x64xf32, #tpu.memory_space<vmem_shared>>) offsets(%dma_start3A_37 : memref<128xi32, #tpu.memory_space<vmem>>) semaphore(%arg14 : memref<!tpu.dma_semaphore, #tpu.memory_space<semaphore_mem>>) {add = true}
      %add3A_41 = arith.constant 1 : i32
      %add3A_42 = arith.addi %add3A_33, %add3A_41 : i32
      "tpu.region"() ({
        %run_scoped3A = tpu.sem_alloc : memref<!tpu.dma_semaphore, #tpu.memory_space<semaphore_mem>>
        %dma_start3A_57 = arith.constant 0 : i32
        %dma_start3A_58 = tpu.memref_slice %arg8[%add3A_42, %dma_start3A_57] : memref<40x128xi32, #tpu.memory_space<vmem>> -> memref<1x128xi32, #tpu.memory_space<vmem>>
        %dma_start3A_59 = tpu.memref_squeeze %dma_start3A_58 : memref<1x128xi32, #tpu.memory_space<vmem>> -> memref<128xi32, #tpu.memory_space<vmem>>
        %dma_start3A_60 = arith.constant 0 : i32
        %dma_start3A_61 = arith.constant 0 : i32
        %dma_start3A_62 = tpu.memref_slice %arg13[%dma_start3A_60, %dma_start3A_61] : memref<10240x64xf32, #tpu.memory_space<vmem_shared>> -> memref<10240x64xf32, #tpu.memory_space<vmem_shared>>
        tpu.enqueue_indirect_dma source(%dma_start3A_62 : memref<10240x64xf32, #tpu.memory_space<vmem_shared>>) target(%arg11 : memref<128x64xf32, #tpu.memory_space<vmem>>) offsets(%dma_start3A_59 : memref<128xi32, #tpu.memory_space<vmem>>) semaphore(%run_scoped3A : memref<!tpu.dma_semaphore, #tpu.memory_space<semaphore_mem>>)
        %dma_wait3A_63 = arith.constant 0 : i32
        %dma_wait3A_64 = tpu.memref_slice %arg8[%add3A_42, %dma_wait3A_63] : memref<40x128xi32, #tpu.memory_space<vmem>> -> memref<1x128xi32, #tpu.memory_space<vmem>>
        %dma_wait3A_65 = tpu.memref_squeeze %dma_wait3A_64 : memref<1x128xi32, #tpu.memory_space<vmem>> -> memref<128xi32, #tpu.memory_space<vmem>>
        %dma_wait3A_66 = arith.constant 0 : i32
        %dma_wait3A_67 = arith.constant 0 : i32
        %dma_wait3A_68 = tpu.memref_slice %arg13[%dma_wait3A_66, %dma_wait3A_67] : memref<10240x64xf32, #tpu.memory_space<vmem_shared>> -> memref<10240x64xf32, #tpu.memory_space<vmem_shared>>
        tpu.wait_indirect_dma semaphore(%run_scoped3A : memref<!tpu.dma_semaphore, #tpu.memory_space<semaphore_mem>>) src(%dma_wait3A_68 : memref<10240x64xf32, #tpu.memory_space<vmem_shared>>) dst(%arg11 : memref<128x64xf32, #tpu.memory_space<vmem>>)
        tpu.yield
      }) : () -> ()
      %dma_wait3A_43 = arith.constant 0 : i32
      %dma_wait3A_44 = tpu.memref_slice %arg9[%add3A_33, %dma_wait3A_43] : memref<40x128xi32, #tpu.memory_space<vmem>> -> memref<1x128xi32, #tpu.memory_space<vmem>>
      %dma_wait3A_45 = tpu.memref_squeeze %dma_wait3A_44 : memref<1x128xi32, #tpu.memory_space<vmem>> -> memref<128xi32, #tpu.memory_space<vmem>>
      %dma_wait3A_46 = arith.constant 0 : i32
      %dma_wait3A_47 = arith.constant 0 : i32
      %dma_wait3A_48 = tpu.memref_slice %arg12[%dma_wait3A_46, %dma_wait3A_47] : memref<10240x64xf32, #tpu.memory_space<vmem_shared>> -> memref<10240x64xf32, #tpu.memory_space<vmem_shared>>
      tpu.wait_indirect_dma semaphore(%arg14 : memref<!tpu.dma_semaphore, #tpu.memory_space<semaphore_mem>>) src(%arg10 : memref<128x64xf32, #tpu.memory_space<vmem>>) dst(%dma_wait3A_48 : memref<10240x64xf32, #tpu.memory_space<vmem_shared>>)
      %add3A_49 = arith.constant 1 : i32
      %add3A_50 = arith.addi %add3A_33, %add3A_49 : i32
      %dma_start3A_51 = arith.constant 0 : i32
      %dma_start3A_52 = tpu.memref_slice %arg9[%add3A_50, %dma_start3A_51] : memref<40x128xi32, #tpu.memory_space<vmem>> -> memref<1x128xi32, #tpu.memory_space<vmem>>
      %dma_start3A_53 = tpu.memref_squeeze %dma_start3A_52 : memref<1x128xi32, #tpu.memory_space<vmem>> -> memref<128xi32, #tpu.memory_space<vmem>>
      %dma_start3A_54 = arith.constant 0 : i32
      %dma_start3A_55 = arith.constant 0 : i32
      %dma_start3A_56 = tpu.memref_slice %arg12[%dma_start3A_54, %dma_start3A_55] : memref<10240x64xf32, #tpu.memory_space<vmem_shared>> -> memref<10240x64xf32, #tpu.memory_space<vmem_shared>>
      tpu.enqueue_indirect_dma source(%arg11 : memref<128x64xf32, #tpu.memory_space<vmem>>) target(%dma_start3A_56 : memref<10240x64xf32, #tpu.memory_space<vmem_shared>>) offsets(%dma_start3A_53 : memref<128xi32, #tpu.memory_space<vmem>>) semaphore(%arg15 : memref<!tpu.dma_semaphore, #tpu.memory_space<semaphore_mem>>) {add = true}
    }
    %scan3A_6 = arith.constant 20 : i32
    %dma_wait3A = arith.constant 39 : i32
    %dma_wait3A_7 = arith.constant 0 : i32
    %dma_wait3A_8 = tpu.memref_slice %arg9[%dma_wait3A, %dma_wait3A_7] : memref<40x128xi32, #tpu.memory_space<vmem>> -> memref<1x128xi32, #tpu.memory_space<vmem>>
    %dma_wait3A_9 = tpu.memref_squeeze %dma_wait3A_8 : memref<1x128xi32, #tpu.memory_space<vmem>> -> memref<128xi32, #tpu.memory_space<vmem>>
    %dma_wait3A_10 = arith.constant 0 : i32
    %dma_wait3A_11 = arith.constant 0 : i32
    %dma_wait3A_12 = tpu.memref_slice %arg12[%dma_wait3A_10, %dma_wait3A_11] : memref<10240x64xf32, #tpu.memory_space<vmem_shared>> -> memref<10240x64xf32, #tpu.memory_space<vmem_shared>>
    tpu.wait_indirect_dma semaphore(%arg15 : memref<!tpu.dma_semaphore, #tpu.memory_space<semaphore_mem>>) src(%arg11 : memref<128x64xf32, #tpu.memory_space<vmem>>) dst(%dma_wait3A_12 : memref<10240x64xf32, #tpu.memory_space<vmem_shared>>)
    %barrier3A_13 = arith.constant 0 : index
    tpu.barrier barrier_id(%barrier3A_13)
    "tpu.region"() ({
      %run_scoped3A = tpu.sem_alloc : memref<!tpu.dma_semaphore, #tpu.memory_space<semaphore_mem>>
      %dma_start3A = arith.constant 0 : i32
      %dma_start3A_29 = tpu.memref_slice %arg6[%arg0, %mul3A_2, %dma_start3A] : memref<2x10240x64xf32, #tpu.memory_space<hbm>> -> memref<1x640x64xf32, #tpu.memory_space<hbm>>
      %dma_start3A_30 = tpu.memref_squeeze %dma_start3A_29 : memref<1x640x64xf32, #tpu.memory_space<hbm>> -> memref<640x64xf32, #tpu.memory_space<hbm>>
      %dma_start3A_31 = arith.constant 0 : i32
      %dma_start3A_32 = tpu.memref_slice %arg12[%mul3A_2, %dma_start3A_31] : memref<10240x64xf32, #tpu.memory_space<vmem_shared>> -> memref<640x64xf32, #tpu.memory_space<vmem_shared>>
      tpu.enqueue_dma source(%dma_start3A_32 : memref<640x64xf32, #tpu.memory_space<vmem_shared>>) target(%dma_start3A_30 : memref<640x64xf32, #tpu.memory_space<hbm>>) target_semaphore(%run_scoped3A : memref<!tpu.dma_semaphore, #tpu.memory_space<semaphore_mem>>)
      %dma_wait3A_33 = arith.constant 0 : i32
      %dma_wait3A_34 = tpu.memref_slice %arg6[%arg0, %mul3A_2, %dma_wait3A_33] : memref<2x10240x64xf32, #tpu.memory_space<hbm>> -> memref<1x640x64xf32, #tpu.memory_space<hbm>>
      %dma_wait3A_35 = tpu.memref_squeeze %dma_wait3A_34 : memref<1x640x64xf32, #tpu.memory_space<hbm>> -> memref<640x64xf32, #tpu.memory_space<hbm>>
      %dma_wait3A_36 = arith.constant 0 : i32
      %dma_wait3A_37 = tpu.memref_slice %arg12[%mul3A_2, %dma_wait3A_36] : memref<10240x64xf32, #tpu.memory_space<vmem_shared>> -> memref<640x64xf32, #tpu.memory_space<vmem_shared>>
      tpu.wait_dma2 semaphore(%run_scoped3A : memref<!tpu.dma_semaphore, #tpu.memory_space<semaphore_mem>>) src(%dma_wait3A_37 : memref<640x64xf32, #tpu.memory_space<vmem_shared>>) dst(%dma_wait3A_35 : memref<640x64xf32, #tpu.memory_space<hbm>>)
      tpu.yield
    }) : () -> ()
    %barrier3A_14 = arith.constant 0 : index
    tpu.barrier barrier_id(%barrier3A_14)
    "tpu.region"() ({
      %run_scoped3A = tpu.sem_alloc : memref<!tpu.dma_semaphore, #tpu.memory_space<semaphore_mem>>
      %dma_start3A = arith.constant 0 : i32
      %dma_start3A_29 = tpu.memref_slice %arg12[%mul3A_2, %dma_start3A] : memref<10240x64xf32, #tpu.memory_space<vmem_shared>> -> memref<640x64xf32, #tpu.memory_space<vmem_shared>>
      %dma_start3A_30 = arith.constant 0 : i32
      %dma_start3A_31 = tpu.memref_slice %arg3[%mul3A_2, %dma_start3A_30] : memref<10240x64xf32, #tpu.memory_space<hbm>> -> memref<640x64xf32, #tpu.memory_space<hbm>>
      tpu.enqueue_dma source(%dma_start3A_31 : memref<640x64xf32, #tpu.memory_space<hbm>>) target(%dma_start3A_29 : memref<640x64xf32, #tpu.memory_space<vmem_shared>>) target_semaphore(%run_scoped3A : memref<!tpu.dma_semaphore, #tpu.memory_space<semaphore_mem>>)
      %dma_wait3A_32 = arith.constant 0 : i32
      %dma_wait3A_33 = tpu.memref_slice %arg12[%mul3A_2, %dma_wait3A_32] : memref<10240x64xf32, #tpu.memory_space<vmem_shared>> -> memref<640x64xf32, #tpu.memory_space<vmem_shared>>
      %dma_wait3A_34 = arith.constant 0 : i32
      %dma_wait3A_35 = tpu.memref_slice %arg3[%mul3A_2, %dma_wait3A_34] : memref<10240x64xf32, #tpu.memory_space<hbm>> -> memref<640x64xf32, #tpu.memory_space<hbm>>
      tpu.wait_dma2 semaphore(%run_scoped3A : memref<!tpu.dma_semaphore, #tpu.memory_space<semaphore_mem>>) src(%dma_wait3A_35 : memref<640x64xf32, #tpu.memory_space<hbm>>) dst(%dma_wait3A_33 : memref<640x64xf32, #tpu.memory_space<vmem_shared>>)
      tpu.yield
    }) : () -> ()
    "tpu.region"() ({
      %run_scoped3A = tpu.sem_alloc : memref<!tpu.dma_semaphore, #tpu.memory_space<semaphore_mem>>
      %dma_start3A = arith.constant 0 : i32
      %dma_start3A_29 = tpu.memref_slice %arg13[%mul3A_2, %dma_start3A] : memref<10240x64xf32, #tpu.memory_space<vmem_shared>> -> memref<640x64xf32, #tpu.memory_space<vmem_shared>>
      %dma_start3A_30 = arith.constant 0 : i32
      %dma_start3A_31 = tpu.memref_slice %arg3[%mul3A_2, %dma_start3A_30] : memref<10240x64xf32, #tpu.memory_space<hbm>> -> memref<640x64xf32, #tpu.memory_space<hbm>>
      tpu.enqueue_dma source(%dma_start3A_31 : memref<640x64xf32, #tpu.memory_space<hbm>>) target(%dma_start3A_29 : memref<640x64xf32, #tpu.memory_space<vmem_shared>>) target_semaphore(%run_scoped3A : memref<!tpu.dma_semaphore, #tpu.memory_space<semaphore_mem>>)
      %dma_wait3A_32 = arith.constant 0 : i32
      %dma_wait3A_33 = tpu.memref_slice %arg13[%mul3A_2, %dma_wait3A_32] : memref<10240x64xf32, #tpu.memory_space<vmem_shared>> -> memref<640x64xf32, #tpu.memory_space<vmem_shared>>
      %dma_wait3A_34 = arith.constant 0 : i32
      %dma_wait3A_35 = tpu.memref_slice %arg3[%mul3A_2, %dma_wait3A_34] : memref<10240x64xf32, #tpu.memory_space<hbm>> -> memref<640x64xf32, #tpu.memory_space<hbm>>
      tpu.wait_dma2 semaphore(%run_scoped3A : memref<!tpu.dma_semaphore, #tpu.memory_space<semaphore_mem>>) src(%dma_wait3A_35 : memref<640x64xf32, #tpu.memory_space<hbm>>) dst(%dma_wait3A_33 : memref<640x64xf32, #tpu.memory_space<vmem_shared>>)
      tpu.yield
    }) : () -> ()
    %barrier3A_15 = arith.constant 0 : index
    tpu.barrier barrier_id(%barrier3A_15)
    %scan3A_16 = arith.constant 0 : i32
    %scan3A_17 = arith.constant 20 : i32
    %scan3A_18 = arith.addi %scan3A_16, %scan3A_17 : i32
    %scan3A_19 = arith.constant 1 : i32
    scf.for %scan3A_29 = %scan3A_16 to %scan3A_18 step %scan3A_19  : i32 {
      %mul3A_30 = arith.constant 2 : i32
      %mul3A_31 = arith.muli %scan3A_29, %mul3A_30 : i32
      %add3A_32 = arith.constant 0 : i32
      %add3A_33 = arith.addi %add3A_32, %mul3A_31 : i32
      "tpu.region"() ({
        %run_scoped3A = tpu.sem_alloc : memref<!tpu.dma_semaphore, #tpu.memory_space<semaphore_mem>>
        %dma_start3A_57 = arith.constant 0 : i32
        %dma_start3A_58 = tpu.memref_slice %arg8[%add3A_33, %dma_start3A_57] : memref<40x128xi32, #tpu.memory_space<vmem>> -> memref<1x128xi32, #tpu.memory_space<vmem>>
        %dma_start3A_59 = tpu.memref_squeeze %dma_start3A_58 : memref<1x128xi32, #tpu.memory_space<vmem>> -> memref<128xi32, #tpu.memory_space<vmem>>
        %dma_start3A_60 = arith.constant 0 : i32
        %dma_start3A_61 = arith.constant 0 : i32
        %dma_start3A_62 = tpu.memref_slice %arg13[%dma_start3A_60, %dma_start3A_61] : memref<10240x64xf32, #tpu.memory_space<vmem_shared>> -> memref<10240x64xf32, #tpu.memory_space<vmem_shared>>
        tpu.enqueue_indirect_dma source(%dma_start3A_62 : memref<10240x64xf32, #tpu.memory_space<vmem_shared>>) target(%arg10 : memref<128x64xf32, #tpu.memory_space<vmem>>) offsets(%dma_start3A_59 : memref<128xi32, #tpu.memory_space<vmem>>) semaphore(%run_scoped3A : memref<!tpu.dma_semaphore, #tpu.memory_space<semaphore_mem>>)
        %dma_wait3A_63 = arith.constant 0 : i32
        %dma_wait3A_64 = tpu.memref_slice %arg8[%add3A_33, %dma_wait3A_63] : memref<40x128xi32, #tpu.memory_space<vmem>> -> memref<1x128xi32, #tpu.memory_space<vmem>>
        %dma_wait3A_65 = tpu.memref_squeeze %dma_wait3A_64 : memref<1x128xi32, #tpu.memory_space<vmem>> -> memref<128xi32, #tpu.memory_space<vmem>>
        %dma_wait3A_66 = arith.constant 0 : i32
        %dma_wait3A_67 = arith.constant 0 : i32
        %dma_wait3A_68 = tpu.memref_slice %arg13[%dma_wait3A_66, %dma_wait3A_67] : memref<10240x64xf32, #tpu.memory_space<vmem_shared>> -> memref<10240x64xf32, #tpu.memory_space<vmem_shared>>
        tpu.wait_indirect_dma semaphore(%run_scoped3A : memref<!tpu.dma_semaphore, #tpu.memory_space<semaphore_mem>>) src(%dma_wait3A_68 : memref<10240x64xf32, #tpu.memory_space<vmem_shared>>) dst(%arg10 : memref<128x64xf32, #tpu.memory_space<vmem>>)
        tpu.yield
      }) : () -> ()
      %gt3A = arith.constant 0 : i32
      %gt3A_34 = arith.cmpi sgt, %add3A_33, %gt3A : i32
      %convert_element_type3A = arith.extui %gt3A_34 : i1 to i32
      %cond3A = arith.constant 0 : i32
      %cond3A_35 = arith.cmpi ne, %convert_element_type3A, %cond3A : i32
      scf.if %cond3A_35 {
        %sub3A = arith.constant 1 : i32
        %sub3A_57 = arith.subi %add3A_33, %sub3A : i32
        %dma_wait3A_58 = arith.constant 0 : i32
        %dma_wait3A_59 = tpu.memref_slice %arg9[%sub3A_57, %dma_wait3A_58] : memref<40x128xi32, #tpu.memory_space<vmem>> -> memref<1x128xi32, #tpu.memory_space<vmem>>
        %dma_wait3A_60 = tpu.memref_squeeze %dma_wait3A_59 : memref<1x128xi32, #tpu.memory_space<vmem>> -> memref<128xi32, #tpu.memory_space<vmem>>
        %dma_wait3A_61 = arith.constant 0 : i32
        %dma_wait3A_62 = arith.constant 0 : i32
        %dma_wait3A_63 = tpu.memref_slice %arg12[%dma_wait3A_61, %dma_wait3A_62] : memref<10240x64xf32, #tpu.memory_space<vmem_shared>> -> memref<10240x64xf32, #tpu.memory_space<vmem_shared>>
        tpu.wait_indirect_dma semaphore(%arg15 : memref<!tpu.dma_semaphore, #tpu.memory_space<semaphore_mem>>) src(%arg11 : memref<128x64xf32, #tpu.memory_space<vmem>>) dst(%dma_wait3A_63 : memref<10240x64xf32, #tpu.memory_space<vmem_shared>>)
      } else {
      }
      %dma_start3A = arith.constant 0 : i32
      %dma_start3A_36 = tpu.memref_slice %arg9[%add3A_33, %dma_start3A] : memref<40x128xi32, #tpu.memory_space<vmem>> -> memref<1x128xi32, #tpu.memory_space<vmem>>
      %dma_start3A_37 = tpu.memref_squeeze %dma_start3A_36 : memref<1x128xi32, #tpu.memory_space<vmem>> -> memref<128xi32, #tpu.memory_space<vmem>>
      %dma_start3A_38 = arith.constant 0 : i32
      %dma_start3A_39 = arith.constant 0 : i32
      %dma_start3A_40 = tpu.memref_slice %arg12[%dma_start3A_38, %dma_start3A_39] : memref<10240x64xf32, #tpu.memory_space<vmem_shared>> -> memref<10240x64xf32, #tpu.memory_space<vmem_shared>>
      tpu.enqueue_indirect_dma source(%arg10 : memref<128x64xf32, #tpu.memory_space<vmem>>) target(%dma_start3A_40 : memref<10240x64xf32, #tpu.memory_space<vmem_shared>>) offsets(%dma_start3A_37 : memref<128xi32, #tpu.memory_space<vmem>>) semaphore(%arg14 : memref<!tpu.dma_semaphore, #tpu.memory_space<semaphore_mem>>) {add = true}
      %add3A_41 = arith.constant 1 : i32
      %add3A_42 = arith.addi %add3A_33, %add3A_41 : i32
      "tpu.region"() ({
        %run_scoped3A = tpu.sem_alloc : memref<!tpu.dma_semaphore, #tpu.memory_space<semaphore_mem>>
        %dma_start3A_57 = arith.constant 0 : i32
        %dma_start3A_58 = tpu.memref_slice %arg8[%add3A_42, %dma_start3A_57] : memref<40x128xi32, #tpu.memory_space<vmem>> -> memref<1x128xi32, #tpu.memory_space<vmem>>
        %dma_start3A_59 = tpu.memref_squeeze %dma_start3A_58 : memref<1x128xi32, #tpu.memory_space<vmem>> -> memref<128xi32, #tpu.memory_space<vmem>>
        %dma_start3A_60 = arith.constant 0 : i32
        %dma_start3A_61 = arith.constant 0 : i32
        %dma_start3A_62 = tpu.memref_slice %arg13[%dma_start3A_60, %dma_start3A_61] : memref<10240x64xf32, #tpu.memory_space<vmem_shared>> -> memref<10240x64xf32, #tpu.memory_space<vmem_shared>>
        tpu.enqueue_indirect_dma source(%dma_start3A_62 : memref<10240x64xf32, #tpu.memory_space<vmem_shared>>) target(%arg11 : memref<128x64xf32, #tpu.memory_space<vmem>>) offsets(%dma_start3A_59 : memref<128xi32, #tpu.memory_space<vmem>>) semaphore(%run_scoped3A : memref<!tpu.dma_semaphore, #tpu.memory_space<semaphore_mem>>)
        %dma_wait3A_63 = arith.constant 0 : i32
        %dma_wait3A_64 = tpu.memref_slice %arg8[%add3A_42, %dma_wait3A_63] : memref<40x128xi32, #tpu.memory_space<vmem>> -> memref<1x128xi32, #tpu.memory_space<vmem>>
        %dma_wait3A_65 = tpu.memref_squeeze %dma_wait3A_64 : memref<1x128xi32, #tpu.memory_space<vmem>> -> memref<128xi32, #tpu.memory_space<vmem>>
        %dma_wait3A_66 = arith.constant 0 : i32
        %dma_wait3A_67 = arith.constant 0 : i32
        %dma_wait3A_68 = tpu.memref_slice %arg13[%dma_wait3A_66, %dma_wait3A_67] : memref<10240x64xf32, #tpu.memory_space<vmem_shared>> -> memref<10240x64xf32, #tpu.memory_space<vmem_shared>>
        tpu.wait_indirect_dma semaphore(%run_scoped3A : memref<!tpu.dma_semaphore, #tpu.memory_space<semaphore_mem>>) src(%dma_wait3A_68 : memref<10240x64xf32, #tpu.memory_space<vmem_shared>>) dst(%arg11 : memref<128x64xf32, #tpu.memory_space<vmem>>)
        tpu.yield
      }) : () -> ()
      %dma_wait3A_43 = arith.constant 0 : i32
      %dma_wait3A_44 = tpu.memref_slice %arg9[%add3A_33, %dma_wait3A_43] : memref<40x128xi32, #tpu.memory_space<vmem>> -> memref<1x128xi32, #tpu.memory_space<vmem>>
      %dma_wait3A_45 = tpu.memref_squeeze %dma_wait3A_44 : memref<1x128xi32, #tpu.memory_space<vmem>> -> memref<128xi32, #tpu.memory_space<vmem>>
      %dma_wait3A_46 = arith.constant 0 : i32
      %dma_wait3A_47 = arith.constant 0 : i32
      %dma_wait3A_48 = tpu.memref_slice %arg12[%dma_wait3A_46, %dma_wait3A_47] : memref<10240x64xf32, #tpu.memory_space<vmem_shared>> -> memref<10240x64xf32, #tpu.memory_space<vmem_shared>>
      tpu.wait_indirect_dma semaphore(%arg14 : memref<!tpu.dma_semaphore, #tpu.memory_space<semaphore_mem>>) src(%arg10 : memref<128x64xf32, #tpu.memory_space<vmem>>) dst(%dma_wait3A_48 : memref<10240x64xf32, #tpu.memory_space<vmem_shared>>)
      %add3A_49 = arith.constant 1 : i32
      %add3A_50 = arith.addi %add3A_33, %add3A_49 : i32
      %dma_start3A_51 = arith.constant 0 : i32
      %dma_start3A_52 = tpu.memref_slice %arg9[%add3A_50, %dma_start3A_51] : memref<40x128xi32, #tpu.memory_space<vmem>> -> memref<1x128xi32, #tpu.memory_space<vmem>>
      %dma_start3A_53 = tpu.memref_squeeze %dma_start3A_52 : memref<1x128xi32, #tpu.memory_space<vmem>> -> memref<128xi32, #tpu.memory_space<vmem>>
      %dma_start3A_54 = arith.constant 0 : i32
      %dma_start3A_55 = arith.constant 0 : i32
      %dma_start3A_56 = tpu.memref_slice %arg12[%dma_start3A_54, %dma_start3A_55] : memref<10240x64xf32, #tpu.memory_space<vmem_shared>> -> memref<10240x64xf32, #tpu.memory_space<vmem_shared>>
      tpu.enqueue_indirect_dma source(%arg11 : memref<128x64xf32, #tpu.memory_space<vmem>>) target(%dma_start3A_56 : memref<10240x64xf32, #tpu.memory_space<vmem_shared>>) offsets(%dma_start3A_53 : memref<128xi32, #tpu.memory_space<vmem>>) semaphore(%arg15 : memref<!tpu.dma_semaphore, #tpu.memory_space<semaphore_mem>>) {add = true}
    }
    %scan3A_20 = arith.constant 20 : i32
    %dma_wait3A_21 = arith.constant 39 : i32
    %dma_wait3A_22 = arith.constant 0 : i32
    %dma_wait3A_23 = tpu.memref_slice %arg9[%dma_wait3A_21, %dma_wait3A_22] : memref<40x128xi32, #tpu.memory_space<vmem>> -> memref<1x128xi32, #tpu.memory_space<vmem>>
    %dma_wait3A_24 = tpu.memref_squeeze %dma_wait3A_23 : memref<1x128xi32, #tpu.memory_space<vmem>> -> memref<128xi32, #tpu.memory_space<vmem>>
    %dma_wait3A_25 = arith.constant 0 : i32
    %dma_wait3A_26 = arith.constant 0 : i32
    %dma_wait3A_27 = tpu.memref_slice %arg12[%dma_wait3A_25, %dma_wait3A_26] : memref<10240x64xf32, #tpu.memory_space<vmem_shared>> -> memref<10240x64xf32, #tpu.memory_space<vmem_shared>>
    tpu.wait_indirect_dma semaphore(%arg15 : memref<!tpu.dma_semaphore, #tpu.memory_space<semaphore_mem>>) src(%arg11 : memref<128x64xf32, #tpu.memory_space<vmem>>) dst(%dma_wait3A_27 : memref<10240x64xf32, #tpu.memory_space<vmem_shared>>)
    %barrier3A_28 = arith.constant 0 : index
    tpu.barrier barrier_id(%barrier3A_28)
    "tpu.region"() ({
      %run_scoped3A = tpu.sem_alloc : memref<!tpu.dma_semaphore, #tpu.memory_space<semaphore_mem>>
      %dma_start3A = arith.constant 0 : i32
      %dma_start3A_29 = tpu.memref_slice %arg7[%arg0, %mul3A_2, %dma_start3A] : memref<2x10240x64xf32, #tpu.memory_space<hbm>> -> memref<1x640x64xf32, #tpu.memory_space<hbm>>
      %dma_start3A_30 = tpu.memref_squeeze %dma_start3A_29 : memref<1x640x64xf32, #tpu.memory_space<hbm>> -> memref<640x64xf32, #tpu.memory_space<hbm>>
      %dma_start3A_31 = arith.constant 0 : i32
      %dma_start3A_32 = tpu.memref_slice %arg12[%mul3A_2, %dma_start3A_31] : memref<10240x64xf32, #tpu.memory_space<vmem_shared>> -> memref<640x64xf32, #tpu.memory_space<vmem_shared>>
      tpu.enqueue_dma source(%dma_start3A_32 : memref<640x64xf32, #tpu.memory_space<vmem_shared>>) target(%dma_start3A_30 : memref<640x64xf32, #tpu.memory_space<hbm>>) target_semaphore(%run_scoped3A : memref<!tpu.dma_semaphore, #tpu.memory_space<semaphore_mem>>)
      %dma_wait3A_33 = arith.constant 0 : i32
      %dma_wait3A_34 = tpu.memref_slice %arg7[%arg0, %mul3A_2, %dma_wait3A_33] : memref<2x10240x64xf32, #tpu.memory_space<hbm>> -> memref<1x640x64xf32, #tpu.memory_space<hbm>>
      %dma_wait3A_35 = tpu.memref_squeeze %dma_wait3A_34 : memref<1x640x64xf32, #tpu.memory_space<hbm>> -> memref<640x64xf32, #tpu.memory_space<hbm>>
      %dma_wait3A_36 = arith.constant 0 : i32
      %dma_wait3A_37 = tpu.memref_slice %arg12[%mul3A_2, %dma_wait3A_36] : memref<10240x64xf32, #tpu.memory_space<vmem_shared>> -> memref<640x64xf32, #tpu.memory_space<vmem_shared>>
      tpu.wait_dma2 semaphore(%run_scoped3A : memref<!tpu.dma_semaphore, #tpu.memory_space<semaphore_mem>>) src(%dma_wait3A_37 : memref<640x64xf32, #tpu.memory_space<vmem_shared>>) dst(%dma_wait3A_35 : memref<640x64xf32, #tpu.memory_space<hbm>>)
      tpu.yield
    }) : () -> ()
    return
  }
}

module attributes {stable_mosaic.version = 14 : i64} {
  func.func @_mmscale_body(%arg0: i32, %arg1: memref<512x128xf32, #tpu.memory_space<vmem>>, %arg2: memref<128x128xf32, #tpu.memory_space<vmem>>, %arg3: memref<512x16xf32, #tpu.memory_space<vmem>>, %arg4: memref<512x16xf32, #tpu.memory_space<vmem>>, %arg5: memref<512x64xf32, #tpu.memory_space<vmem>>, %arg6: memref<512x64xf32, #tpu.memory_space<vmem>>, %arg7: memref<512x16xf32, #tpu.memory_space<vmem>>) attributes {dimension_semantics = [#tpu.dimension_semantics<parallel>], iteration_bounds = array<i64: 20>, scalar_prefetch = 0 : i64, scratch_operands = 0 : i64, tpu.core_type = #tpu.core_type<tc>, window_params = [{transform_indices = @transform_0, window_bounds = array<i64: 512, 128>}, {pipeline_mode = #tpu.pipeline_mode<synchronous>, transform_indices = @transform_1, window_bounds = array<i64: 128, 128>}, {transform_indices = @transform_2, window_bounds = array<i64: 512, 16>}, {transform_indices = @transform_3, window_bounds = array<i64: 512, 16>}, {transform_indices = @transform_4, window_bounds = array<i64: 512, 64>}, {transform_indices = @transform_5, window_bounds = array<i64: 512, 64>}, {transform_indices = @transform_6, window_bounds = array<i64: 512, 16>}]} {
    %get3A = arith.constant 0 : index
    %get3A_0 = arith.constant 0 : index
    %get3A_1 = vector.load %arg3[%get3A, %get3A_0] : memref<512x16xf32, #tpu.memory_space<vmem>>, vector<512x16xf32>
    %get3A_2 = arith.constant 0 : index
    %get3A_3 = arith.constant 0 : index
    %get3A_4 = vector.load %arg4[%get3A_2, %get3A_3] : memref<512x16xf32, #tpu.memory_space<vmem>>, vector<512x16xf32>
    %add3A = arith.addf %get3A_1, %get3A_4 : vector<512x16xf32>
    %add3A_5 = arith.constant 1.000000e+00 : f32
    %add3A_6 = vector.broadcast %add3A_5 : f32 to vector<512x16xf32>
    %add3A_7 = arith.addf %add3A, %add3A_6 : vector<512x16xf32>
    %rsqrt3A = math.rsqrt %add3A_7 : vector<512x16xf32>
    %swap3A = arith.constant 0 : index
    %swap3A_8 = arith.constant 0 : index
    %swap3A_9 = vector.load %arg7[%swap3A, %swap3A_8] : memref<512x16xf32, #tpu.memory_space<vmem>>, vector<512x16xf32>
    tpu.vector_store %arg7[%swap3A, %swap3A_8], %rsqrt3A {strides = array<i32>} : memref<512x16xf32, #tpu.memory_space<vmem>>, vector<512x16xf32>,
    %get3A_10 = arith.constant 0 : index
    %get3A_11 = arith.constant 0 : index
    %get3A_12 = vector.load %arg1[%get3A_10, %get3A_11] : memref<512x128xf32, #tpu.memory_space<vmem>>, vector<512x128xf32>
    %get3A_13 = arith.constant 0 : index
    %get3A_14 = arith.constant 0 : index
    %get3A_15 = vector.load %arg2[%get3A_13, %get3A_14] : memref<128x128xf32, #tpu.memory_space<vmem>>, vector<128x128xf32>
    %dot_general3A = arith.constant dense<0.000000e+00> : vector<512x128xf32>
    %dot_general3A_16 = tpu.matmul %get3A_12, %get3A_15, %dot_general3A {dimension_numbers = #tpu.dot_dimension_numbers<[1], [0], [0], [1], [0, 0, 1, 1], [], []>, transpose_lhs_hint = false} : vector<512x128xf32>, vector<128x128xf32>, vector<512x128xf32> -> vector<512x128xf32>
    %slice3A = vector.extract_strided_slice %rsqrt3A {offsets = [0, 0], sizes = [512, 1], strides = [1, 1]} : vector<512x16xf32> to vector<512x1xf32>
    %mul3A = vector.broadcast %slice3A : vector<512x1xf32> to vector<512x128xf32>
    %mul3A_17 = arith.mulf %dot_general3A_16, %mul3A : vector<512x128xf32>
    %slice3A_18 = vector.extract_strided_slice %mul3A_17 {offsets = [0, 0], sizes = [512, 64], strides = [1, 1]} : vector<512x128xf32> to vector<512x64xf32>
    %swap3A_19 = arith.constant 0 : index
    %swap3A_20 = arith.constant 0 : index
    %swap3A_21 = vector.load %arg5[%swap3A_19, %swap3A_20] : memref<512x64xf32, #tpu.memory_space<vmem>>, vector<512x64xf32>
    tpu.vector_store %arg5[%swap3A_19, %swap3A_20], %slice3A_18 {strides = array<i32>} : memref<512x64xf32, #tpu.memory_space<vmem>>, vector<512x64xf32>,
    %slice3A_22 = vector.extract_strided_slice %mul3A_17 {offsets = [0, 64], sizes = [512, 64], strides = [1, 1]} : vector<512x128xf32> to vector<512x64xf32>
    %swap3A_23 = arith.constant 0 : index
    %swap3A_24 = arith.constant 0 : index
    %swap3A_25 = vector.load %arg6[%swap3A_23, %swap3A_24] : memref<512x64xf32, #tpu.memory_space<vmem>>, vector<512x64xf32>
    tpu.vector_store %arg6[%swap3A_23, %swap3A_24], %slice3A_22 {strides = array<i32>} : memref<512x64xf32, #tpu.memory_space<vmem>>, vector<512x64xf32>,
    return
  }
  func.func @transform_0(%arg0: i32) -> (i32, i32) {
    %c0_i32 = arith.constant 0 : i32
    %c0_i32_0 = arith.constant 0 : i32
    return %arg0, %c0_i32 : i32, i32
  }
  func.func @transform_1(%arg0: i32) -> (i32, i32) {
    %c0_i32 = arith.constant 0 : i32
    %c0_i32_0 = arith.constant 0 : i32
    %c0_i32_1 = arith.constant 0 : i32
    return %c0_i32, %c0_i32_0 : i32, i32
  }
  func.func @transform_2(%arg0: i32) -> (i32, i32) {
    %c0_i32 = arith.constant 0 : i32
    %c0_i32_0 = arith.constant 0 : i32
    return %arg0, %c0_i32 : i32, i32
  }
  func.func @transform_3(%arg0: i32) -> (i32, i32) {
    %c0_i32 = arith.constant 0 : i32
    %c0_i32_0 = arith.constant 0 : i32
    return %arg0, %c0_i32 : i32, i32
  }
  func.func @transform_4(%arg0: i32) -> (i32, i32) {
    %c0_i32 = arith.constant 0 : i32
    %c0_i32_0 = arith.constant 0 : i32
    return %arg0, %c0_i32 : i32, i32
  }
  func.func @transform_5(%arg0: i32) -> (i32, i32) {
    %c0_i32 = arith.constant 0 : i32
    %c0_i32_0 = arith.constant 0 : i32
    return %arg0, %c0_i32 : i32, i32
  }
  func.func @transform_6(%arg0: i32) -> (i32, i32) {
    %c0_i32 = arith.constant 0 : i32
    %c0_i32_0 = arith.constant 0 : i32
    return %arg0, %c0_i32 : i32, i32
  }
}

module attributes {stable_mosaic.version = 14 : i64} {
  func.func @_combine1_body(%arg0: i32, %arg1: memref<512x64xf32, #tpu.memory_space<vmem>>, %arg2: memref<512x64xf32, #tpu.memory_space<vmem>>, %arg3: memref<512x64xf32, #tpu.memory_space<vmem>>, %arg4: memref<512x64xf32, #tpu.memory_space<vmem>>, %arg5: memref<512x64xf32, #tpu.memory_space<vmem>>, %arg6: memref<512x64xf32, #tpu.memory_space<vmem>>, %arg7: memref<512x16xf32, #tpu.memory_space<vmem>>, %arg8: memref<1x128xf32, #tpu.memory_space<vmem>>, %arg9: memref<128x32xf32, #tpu.memory_space<vmem>>, %arg10: memref<512x32xf32, #tpu.memory_space<vmem>>) attributes {dimension_semantics = [#tpu.dimension_semantics<parallel>], iteration_bounds = array<i64: 20>, scalar_prefetch = 0 : i64, scratch_operands = 0 : i64, tpu.core_type = #tpu.core_type<tc>, window_params = [{transform_indices = @transform_0, window_bounds = array<i64: 512, 64>}, {transform_indices = @transform_1, window_bounds = array<i64: 512, 64>}, {transform_indices = @transform_2, window_bounds = array<i64: 512, 64>}, {transform_indices = @transform_3, window_bounds = array<i64: 512, 64>}, {transform_indices = @transform_4, window_bounds = array<i64: 512, 64>}, {transform_indices = @transform_5, window_bounds = array<i64: 512, 64>}, {transform_indices = @transform_6, window_bounds = array<i64: 512, 16>}, {pipeline_mode = #tpu.pipeline_mode<synchronous>, transform_indices = @transform_7, window_bounds = array<i64: 1, 128>}, {pipeline_mode = #tpu.pipeline_mode<synchronous>, transform_indices = @transform_8, window_bounds = array<i64: 128, 32>}, {transform_indices = @transform_9, window_bounds = array<i64: 512, 32>}]} {
    %get3A = arith.constant 0 : index
    %get3A_0 = arith.constant 0 : index
    %get3A_1 = vector.load %arg7[%get3A, %get3A_0] : memref<512x16xf32, #tpu.memory_space<vmem>>, vector<512x1xf32>
    %get3A_2 = arith.constant 0 : index
    %get3A_3 = arith.constant 0 : index
    %get3A_4 = vector.load %arg1[%get3A_2, %get3A_3] : memref<512x64xf32, #tpu.memory_space<vmem>>, vector<512x64xf32>
    %get3A_5 = arith.constant 0 : index
    %get3A_6 = arith.constant 0 : index
    %get3A_7 = vector.load %arg2[%get3A_5, %get3A_6] : memref<512x64xf32, #tpu.memory_space<vmem>>, vector<512x64xf32>
    %add3A = arith.addf %get3A_4, %get3A_7 : vector<512x64xf32>
    %get3A_8 = arith.constant 0 : index
    %get3A_9 = arith.constant 0 : index
    %get3A_10 = vector.load %arg5[%get3A_8, %get3A_9] : memref<512x64xf32, #tpu.memory_space<vmem>>, vector<512x64xf32>
    %sub3A = arith.subf %add3A, %get3A_10 : vector<512x64xf32>
    %mul3A = vector.broadcast %get3A_1 : vector<512x1xf32> to vector<512x64xf32>
    %mul3A_11 = arith.mulf %mul3A, %sub3A : vector<512x64xf32>
    %get3A_12 = arith.constant 0 : index
    %get3A_13 = arith.constant 0 : index
    %get3A_14 = vector.load %arg8[%get3A_12, %get3A_13] : memref<1x128xf32, #tpu.memory_space<vmem>>, vector<1x64xf32>
    %add3A_15 = vector.broadcast %get3A_14 : vector<1x64xf32> to vector<512x64xf32>
    %add3A_16 = arith.addf %mul3A_11, %add3A_15 : vector<512x64xf32>
    %get3A_17 = arith.constant 0 : index
    %get3A_18 = arith.constant 0 : index
    %get3A_19 = vector.load %arg3[%get3A_17, %get3A_18] : memref<512x64xf32, #tpu.memory_space<vmem>>, vector<512x64xf32>
    %get3A_20 = arith.constant 0 : index
    %get3A_21 = arith.constant 0 : index
    %get3A_22 = vector.load %arg4[%get3A_20, %get3A_21] : memref<512x64xf32, #tpu.memory_space<vmem>>, vector<512x64xf32>
    %add3A_23 = arith.addf %get3A_19, %get3A_22 : vector<512x64xf32>
    %get3A_24 = arith.constant 0 : index
    %get3A_25 = arith.constant 0 : index
    %get3A_26 = vector.load %arg6[%get3A_24, %get3A_25] : memref<512x64xf32, #tpu.memory_space<vmem>>, vector<512x64xf32>
    %sub3A_27 = arith.subf %add3A_23, %get3A_26 : vector<512x64xf32>
    %mul3A_28 = vector.broadcast %get3A_1 : vector<512x1xf32> to vector<512x64xf32>
    %mul3A_29 = arith.mulf %mul3A_28, %sub3A_27 : vector<512x64xf32>
    %get3A_30 = arith.constant 0 : index
    %get3A_31 = arith.constant 64 : index
    %get3A_32 = vector.load %arg8[%get3A_30, %get3A_31] : memref<1x128xf32, #tpu.memory_space<vmem>>, vector<1x64xf32>
    %add3A_33 = vector.broadcast %get3A_32 : vector<1x64xf32> to vector<512x64xf32>
    %add3A_34 = arith.addf %mul3A_29, %add3A_33 : vector<512x64xf32>
    %concatenate3A = tpu.concatenate %add3A_16, %add3A_34 in 1 : vector<512x64xf32>, vector<512x64xf32> -> vector<512x128xf32>
    %max3A = arith.constant 0.000000e+00 : f32
    %max3A_35 = vector.broadcast %max3A : f32 to vector<512x128xf32>
    %max3A_36 = arith.maximumf %concatenate3A, %max3A_35 : vector<512x128xf32>
    %get3A_37 = arith.constant 0 : index
    %get3A_38 = arith.constant 0 : index
    %get3A_39 = vector.load %arg9[%get3A_37, %get3A_38] : memref<128x32xf32, #tpu.memory_space<vmem>>, vector<128x32xf32>
    %dot_general3A = arith.constant dense<0.000000e+00> : vector<512x32xf32>
    %dot_general3A_40 = tpu.matmul %max3A_36, %get3A_39, %dot_general3A {dimension_numbers = #tpu.dot_dimension_numbers<[1], [0], [0], [1], [0, 0, 1, 1], [], []>, transpose_lhs_hint = false} : vector<512x128xf32>, vector<128x32xf32>, vector<512x32xf32> -> vector<512x32xf32>
    %mul3A_41 = vector.broadcast %get3A_1 : vector<512x1xf32> to vector<512x32xf32>
    %mul3A_42 = arith.mulf %dot_general3A_40, %mul3A_41 : vector<512x32xf32>
    %swap3A = arith.constant 0 : index
    %swap3A_43 = arith.constant 0 : index
    %swap3A_44 = vector.load %arg10[%swap3A, %swap3A_43] : memref<512x32xf32, #tpu.memory_space<vmem>>, vector<512x32xf32>
    tpu.vector_store %arg10[%swap3A, %swap3A_43], %mul3A_42 {strides = array<i32>} : memref<512x32xf32, #tpu.memory_space<vmem>>, vector<512x32xf32>,
    return
  }
  func.func @transform_0(%arg0: i32) -> (i32, i32) {
    %c0_i32 = arith.constant 0 : i32
    %c0_i32_0 = arith.constant 0 : i32
    return %arg0, %c0_i32 : i32, i32
  }
  func.func @transform_1(%arg0: i32) -> (i32, i32) {
    %c0_i32 = arith.constant 0 : i32
    %c0_i32_0 = arith.constant 0 : i32
    return %arg0, %c0_i32 : i32, i32
  }
  func.func @transform_2(%arg0: i32) -> (i32, i32) {
    %c0_i32 = arith.constant 0 : i32
    %c0_i32_0 = arith.constant 0 : i32
    return %arg0, %c0_i32 : i32, i32
  }
  func.func @transform_3(%arg0: i32) -> (i32, i32) {
    %c0_i32 = arith.constant 0 : i32
    %c0_i32_0 = arith.constant 0 : i32
    return %arg0, %c0_i32 : i32, i32
  }
  func.func @transform_4(%arg0: i32) -> (i32, i32) {
    %c0_i32 = arith.constant 0 : i32
    %c0_i32_0 = arith.constant 0 : i32
    return %arg0, %c0_i32 : i32, i32
  }
  func.func @transform_5(%arg0: i32) -> (i32, i32) {
    %c0_i32 = arith.constant 0 : i32
    %c0_i32_0 = arith.constant 0 : i32
    return %arg0, %c0_i32 : i32, i32
  }
  func.func @transform_6(%arg0: i32) -> (i32, i32) {
    %c0_i32 = arith.constant 0 : i32
    %c0_i32_0 = arith.constant 0 : i32
    return %arg0, %c0_i32 : i32, i32
  }
  func.func @transform_7(%arg0: i32) -> (i32, i32) {
    %c0_i32 = arith.constant 0 : i32
    %c0_i32_0 = arith.constant 0 : i32
    %c0_i32_1 = arith.constant 0 : i32
    return %c0_i32, %c0_i32_0 : i32, i32
  }
  func.func @transform_8(%arg0: i32) -> (i32, i32) {
    %c0_i32 = arith.constant 0 : i32
    %c0_i32_0 = arith.constant 0 : i32
    %c0_i32_1 = arith.constant 0 : i32
    return %c0_i32, %c0_i32_0 : i32, i32
  }
  func.func @transform_9(%arg0: i32) -> (i32, i32) {
    %c0_i32 = arith.constant 0 : i32
    %c0_i32_0 = arith.constant 0 : i32
    return %arg0, %c0_i32 : i32, i32
  }
}

module attributes {stable_mosaic.version = 14 : i64} {
  func.func @_combine2_body(%arg0: i32, %arg1: memref<512x32xf32, #tpu.memory_space<vmem>>, %arg2: memref<512x32xf32, #tpu.memory_space<vmem>>, %arg3: memref<512x32xf32, #tpu.memory_space<vmem>>, %arg4: memref<512x16xf32, #tpu.memory_space<vmem>>, %arg5: memref<1x32xf32, #tpu.memory_space<vmem>>, %arg6: memref<512x16xf32, #tpu.memory_space<vmem>>, %arg7: memref<512x16xf32, #tpu.memory_space<vmem>>) attributes {dimension_semantics = [#tpu.dimension_semantics<parallel>], iteration_bounds = array<i64: 20>, scalar_prefetch = 0 : i64, scratch_operands = 0 : i64, tpu.core_type = #tpu.core_type<tc>, window_params = [{transform_indices = @transform_0, window_bounds = array<i64: 512, 32>}, {transform_indices = @transform_1, window_bounds = array<i64: 512, 32>}, {transform_indices = @transform_2, window_bounds = array<i64: 512, 32>}, {transform_indices = @transform_3, window_bounds = array<i64: 512, 16>}, {pipeline_mode = #tpu.pipeline_mode<synchronous>, transform_indices = @transform_4, window_bounds = array<i64: 1, 32>}, {transform_indices = @transform_5, window_bounds = array<i64: 512, 16>}, {transform_indices = @transform_6, window_bounds = array<i64: 512, 16>}]} {
    %get3A = arith.constant 0 : index
    %get3A_0 = arith.constant 0 : index
    %get3A_1 = vector.load %arg4[%get3A, %get3A_0] : memref<512x16xf32, #tpu.memory_space<vmem>>, vector<512x1xf32>
    %get3A_2 = arith.constant 0 : index
    %get3A_3 = arith.constant 0 : index
    %get3A_4 = vector.load %arg1[%get3A_2, %get3A_3] : memref<512x32xf32, #tpu.memory_space<vmem>>, vector<512x32xf32>
    %get3A_5 = arith.constant 0 : index
    %get3A_6 = arith.constant 0 : index
    %get3A_7 = vector.load %arg2[%get3A_5, %get3A_6] : memref<512x32xf32, #tpu.memory_space<vmem>>, vector<512x32xf32>
    %add3A = arith.addf %get3A_4, %get3A_7 : vector<512x32xf32>
    %get3A_8 = arith.constant 0 : index
    %get3A_9 = arith.constant 0 : index
    %get3A_10 = vector.load %arg3[%get3A_8, %get3A_9] : memref<512x32xf32, #tpu.memory_space<vmem>>, vector<512x32xf32>
    %sub3A = arith.subf %add3A, %get3A_10 : vector<512x32xf32>
    %mul3A = vector.broadcast %get3A_1 : vector<512x1xf32> to vector<512x32xf32>
    %mul3A_11 = arith.mulf %mul3A, %sub3A : vector<512x32xf32>
    %get3A_12 = arith.constant 0 : index
    %get3A_13 = arith.constant 0 : index
    %get3A_14 = vector.load %arg5[%get3A_12, %get3A_13] : memref<1x32xf32, #tpu.memory_space<vmem>>, vector<1x32xf32>
    %add3A_15 = vector.broadcast %get3A_14 : vector<1x32xf32> to vector<512x32xf32>
    %add3A_16 = arith.addf %mul3A_11, %add3A_15 : vector<512x32xf32>
    %slice3A = vector.extract_strided_slice %add3A_16 {offsets = [0, 0], sizes = [512, 16], strides = [1, 1]} : vector<512x32xf32> to vector<512x16xf32>
    %swap3A = arith.constant 0 : index
    %swap3A_17 = arith.constant 0 : index
    %swap3A_18 = vector.load %arg6[%swap3A, %swap3A_17] : memref<512x16xf32, #tpu.memory_space<vmem>>, vector<512x16xf32>
    tpu.vector_store %arg6[%swap3A, %swap3A_17], %slice3A {strides = array<i32>} : memref<512x16xf32, #tpu.memory_space<vmem>>, vector<512x16xf32>,
    %slice3A_19 = vector.extract_strided_slice %add3A_16 {offsets = [0, 16], sizes = [512, 16], strides = [1, 1]} : vector<512x32xf32> to vector<512x16xf32>
    %swap3A_20 = arith.constant 0 : index
    %swap3A_21 = arith.constant 0 : index
    %swap3A_22 = vector.load %arg7[%swap3A_20, %swap3A_21] : memref<512x16xf32, #tpu.memory_space<vmem>>, vector<512x16xf32>
    tpu.vector_store %arg7[%swap3A_20, %swap3A_21], %slice3A_19 {strides = array<i32>} : memref<512x16xf32, #tpu.memory_space<vmem>>, vector<512x16xf32>,
    return
  }
  func.func @transform_0(%arg0: i32) -> (i32, i32) {
    %c0_i32 = arith.constant 0 : i32
    %c0_i32_0 = arith.constant 0 : i32
    return %arg0, %c0_i32 : i32, i32
  }
  func.func @transform_1(%arg0: i32) -> (i32, i32) {
    %c0_i32 = arith.constant 0 : i32
    %c0_i32_0 = arith.constant 0 : i32
    return %arg0, %c0_i32 : i32, i32
  }
  func.func @transform_2(%arg0: i32) -> (i32, i32) {
    %c0_i32 = arith.constant 0 : i32
    %c0_i32_0 = arith.constant 0 : i32
    return %arg0, %c0_i32 : i32, i32
  }
  func.func @transform_3(%arg0: i32) -> (i32, i32) {
    %c0_i32 = arith.constant 0 : i32
    %c0_i32_0 = arith.constant 0 : i32
    return %arg0, %c0_i32 : i32, i32
  }
  func.func @transform_4(%arg0: i32) -> (i32, i32) {
    %c0_i32 = arith.constant 0 : i32
    %c0_i32_0 = arith.constant 0 : i32
    %c0_i32_1 = arith.constant 0 : i32
    return %c0_i32, %c0_i32_0 : i32, i32
  }
  func.func @transform_5(%arg0: i32) -> (i32, i32) {
    %c0_i32 = arith.constant 0 : i32
    %c0_i32_0 = arith.constant 0 : i32
    return %arg0, %c0_i32 : i32, i32
  }
  func.func @transform_6(%arg0: i32) -> (i32, i32) {
    %c0_i32 = arith.constant 0 : i32
    %c0_i32_0 = arith.constant 0 : i32
    return %arg0, %c0_i32 : i32, i32
  }
}

module attributes {stable_mosaic.version = 14 : i64} {
  func.func @_decoder_body(%arg0: i32, %arg1: i32, %arg2: memref<512x16xf32, #tpu.memory_space<vmem>>, %arg3: memref<2048x16xf32, #tpu.memory_space<vmem>>, %arg4: memref<512x2048xf32, #tpu.memory_space<vmem>>) attributes {dimension_semantics = [#tpu.dimension_semantics<parallel>, #tpu.dimension_semantics<parallel>], iteration_bounds = array<i64: 20, 5>, scalar_prefetch = 0 : i64, scratch_operands = 0 : i64, tpu.core_type = #tpu.core_type<tc>, window_params = [{transform_indices = @transform_0, window_bounds = array<i64: 512, 16>}, {transform_indices = @transform_1, window_bounds = array<i64: 2048, 16>}, {transform_indices = @transform_2, window_bounds = array<i64: 512, 2048>}]} {
    %get3A = arith.constant 0 : index
    %get3A_0 = arith.constant 0 : index
    %get3A_1 = vector.load %arg2[%get3A, %get3A_0] : memref<512x16xf32, #tpu.memory_space<vmem>>, vector<512x16xf32>
    %mul3A = arith.constant 5.000000e-01 : f32
    %mul3A_2 = vector.broadcast %mul3A : f32 to vector<512x16xf32>
    %mul3A_3 = arith.mulf %get3A_1, %mul3A_2 : vector<512x16xf32>
    %get3A_4 = arith.constant 0 : index
    %get3A_5 = arith.constant 0 : index
    %get3A_6 = vector.load %arg3[%get3A_4, %get3A_5] : memref<2048x16xf32, #tpu.memory_space<vmem>>, vector<2048x16xf32>
    %dot_general3A = arith.constant dense<0.000000e+00> : vector<512x2048xf32>
    %dot_general3A_7 = tpu.matmul %mul3A_3, %get3A_6, %dot_general3A {dimension_numbers = #tpu.dot_dimension_numbers<[1], [1], [0], [0], [0, 0, 1, 0], [], []>, transpose_lhs_hint = false} : vector<512x16xf32>, vector<2048x16xf32>, vector<512x2048xf32> -> vector<512x2048xf32>
    %tanh3A = math.tanh %dot_general3A_7 : vector<512x2048xf32>
    %mul3A_8 = arith.constant 5.000000e-01 : f32
    %mul3A_9 = vector.broadcast %mul3A_8 : f32 to vector<512x2048xf32>
    %mul3A_10 = arith.mulf %tanh3A, %mul3A_9 : vector<512x2048xf32>
    %add3A = arith.constant 5.000000e-01 : f32
    %add3A_11 = vector.broadcast %add3A : f32 to vector<512x2048xf32>
    %add3A_12 = arith.addf %mul3A_10, %add3A_11 : vector<512x2048xf32>
    %swap3A = arith.constant 0 : index
    %swap3A_13 = arith.constant 0 : index
    %swap3A_14 = vector.load %arg4[%swap3A, %swap3A_13] : memref<512x2048xf32, #tpu.memory_space<vmem>>, vector<512x2048xf32>
    tpu.vector_store %arg4[%swap3A, %swap3A_13], %add3A_12 {strides = array<i32>} : memref<512x2048xf32, #tpu.memory_space<vmem>>, vector<512x2048xf32>,
    return
  }
  func.func @transform_0(%arg0: i32, %arg1: i32) -> (i32, i32) {
    %c0_i32 = arith.constant 0 : i32
    %c0_i32_0 = arith.constant 0 : i32
    return %arg0, %c0_i32 : i32, i32
  }
  func.func @transform_1(%arg0: i32, %arg1: i32) -> (i32, i32) {
    %c0_i32 = arith.constant 0 : i32
    %c0_i32_0 = arith.constant 0 : i32
    return %arg1, %c0_i32 : i32, i32
  }
  func.func @transform_2(%arg0: i32, %arg1: i32) -> (i32, i32) {
    %c0_i32 = arith.constant 0 : i32
    return %arg0, %arg1 : i32, i32
  }
}

</mosaic_0001>

<sc_bundles>
// kernel: kernel.12.cloned.1.call-start
scs
__scs_entry_jumppad:
0x0: {  	(pc) =	sbr.rel $0x88, $3  }
0x1: {  	(tag) =	ssettag $0x0;
	lr =	simm.s32 $0x1  }
0x2: {  	[smem:$0x3F99] =	sst lr;
	_ =	strace $0xD0000000  }
0x3: {  	_ = 	snop  }
0x4: {  	_ = 	snop  }
0x5: {  	_ = 	snop  }
0x6: {  	_ = 	snop  }
0x7: {  	_ = 	snop  }
__scs_overlays_trampoline_lowered:
0x8: {  	[smem:$0x3FA8] =	sst s0  }
0x9: {  	[smem:$0x3FA9] =	sst s1  }
0xa: {  	[smem:$0x3FAA] =	sst s2  }
0xb: {  	[smem:$0x3FAB] =	sst s3  }
0xc: {  	[smem:$0x3FAC] =	sst s4  }
0xd: {  	[smem:$0x3FAD] =	sst s5  }
0xe: {  	[smem:$0x3FAE] =	sst s6  }
0xf: {  	[smem:$0x3FAF] =	sst s7  }
0x10: {  	[smem:$0x3FB0] =	sst s8  }
0x11: {  	[smem:$0x3FB1] =	sst s9;
	s0 =	simm.s32 @!p0 $0x0  }
0x12: {  	s1 =	sld [smem:$0x3F97];
	s0 =	simm.s32 @p0 $0x1  }
0x13: {  	[smem:$0x3FB2] =	sst s0;
	s0 =	simm.s32 @!p1 $0x0  }
0x14: {  	s2 =	sld [smem:$0x3F96];
	s0 =	simm.s32 @p1 $0x1  }
0x15: {  	[smem:$0x3FB3] =	sst s0;
	s0 =	simm.s32 @!p2 $0x0  }
0x16: {  	s3 =	sld [smem:$0x3FDB];
	s0 =	simm.s32 @p2 $0x1  }
0x17: {  	s4 =	simm.s32 $0x1BF5;
	[smem:$0x3FB5] =	sst s0  }
0x18: {  	s0 =	sld [smem:$0x3F98];
	_ =	swait.ge [sflag:s4], $0x0  }
0x19: {  	s7 =	sld [smem:$0x3F99]  }
0x1a: {  	s8 =	sadd.s32 $0xFFFFE003, lr  }
0x1b: {  	s9 =	sadd.s32 $0xFFFFFEF7, lr;
	s5 =	simm.s32 $0xFFFFFFFF;
	p2 =	slt.u32 s8, $0xFFFFF086  }
0x1c: {  	p1 =	slt.u32 s9, $0xF7A;
	s5 =	simm.s32 @!p2 $0x0  }
0x1d: {  	s5 =	simm.s32 @p1 $0x1;
	p0 =	seq.s32 s7, s2  }
0x1e: {  	s7 =	smul.u32 @!p0 $0xF7A, s2;
	p2 =	seq.s32 @!p0 s5, $0x0  }
0x1f: {  	s9 =	smul.u32 $0xF7A, s1;
	s8 =	simm.s32 @!p0 $0x1BF5;
	p2 =	por !p2, p0  }
0x20: {  	[sflag:s8] =	ssyncset.s32 @!p0 $0xFFFFF086;
	s6 =	sadd.s32 @!p0 s3, s7;
	s7 =	simm.s32 @!p0 $0x108  }
0x21: {  	s3 =	sadd.s32 s3, s9;
	s6 =	sadd.s32 @!p0 $0x88, s6;
	s7 =	simm.s32 @p2 $0x1082  }
0x22: {  	[simem:s7], [sflag:s8] =	dma.local @!p0 [hbm:s6], $0xF7A  }
0x23: {  	s9 =	sor.u32 $0xD0000000, s2;
	s6 =	simm.s32 $0x108;
	_ =	swait.ge @!p0 [sflag:s8], $0x0  }
0x24: {  	s3 =	sadd.s32 $0x88, s3;
	s6 =	simm.s32 @!p1 $0x1082;
	[sflag:s4] =	ssyncset.s32 $0xFFFFF086  }
0x25: {  	[simem:s6], [sflag:s4] =	dma.local [hbm:s3], $0xF7A  }
0x26: {  	[smem:$0x3F99] =	sst s1;
	(tag) =	ssettag s2;
	_ =	strace s9  }
0x27: {  	s1 =	sld [smem:$0x3FA9]  }
0x28: {  	s2 =	sld [smem:$0x3FAA]  }
0x29: {  	s4 =	sld [smem:$0x3FAC]  }
0x2a: {  	p0 =	seq.s32 s5, $0x0;
	s5 =	sld [smem:$0x3FAD]  }
0x2b: {  	s6 =	sld [smem:$0x3FAE]  }
0x2c: {  	s7 =	sld [smem:$0x3FAF]  }
0x2d: {  	s3 =	simm.s32 $0x108;
	s8 =	sld [smem:$0x3FB0]  }
0x2e: {  	s3 =	simm.s32 @!p0 $0x1082;
	s9 =	sld [smem:$0x3FB1]  }
0x2f: {  	lr =	sadd.s32 s0, s3;
	s0 =	sld [smem:$0x3FA8]  }
0x30: {  	s3 =	sld [smem:$0x3FAB]  }
0x31: {  	[smem:$0x3FB4] =	sst s10  }
0x32: {  	s10 =	sld [smem:$0x3FB2];
	_ =	sdelay $0x3  }
0x33: {  	p0 =	seq.s32 s10, $0x1;
	s10 =	sld [smem:$0x3FB4];
	_ =	sdelay $0x3  }
0x34: {  	[smem:$0x3FB4] =	sst s10  }
0x35: {  	s10 =	sld [smem:$0x3FB3];
	_ =	sdelay $0x3  }
0x36: {  	p1 =	seq.s32 s10, $0x1;
	s10 =	sld [smem:$0x3FB4];
	_ =	sdelay $0x3  }
0x37: {  	[smem:$0x3FB4] =	sst s10  }
0x38: {  	s10 =	sld [smem:$0x3FB5]  }
0x39: {  	_ = 	snop;
	(pc) =	sbr.ind lr, $3  }
0x3a: {  	_ = 	snop  }
0x3b: {  	_ = 	snop  }
0x3c: {  	p2 =	seq.s32 s10, $0x1;
	s10 =	sld [smem:$0x3FB4]  }
0x3d: {  	_ =	shalt  }
0x3e: {  	_ =	shalt  }
0x3f: {  	_ =	shalt  }
0x40: {  	_ =	shalt  }
0x41: {  	_ =	shalt  }
0x42: {  	_ =	shalt  }
0x43: {  	_ =	shalt  }
0x44: {  	_ =	shalt  }
0x45: {  	_ =	shalt  }
0x46: {  	_ =	shalt  }
0x47: {  	_ =	shalt  }
0x48: {  	_ =	shalt  }
0x49: {  	_ =	shalt  }
0x4a: {  	_ =	shalt  }
0x4b: {  	_ =	shalt  }
0x4c: {  	_ =	shalt  }
0x4d: {  	_ =	shalt  }
0x4e: {  	_ =	shalt  }
0x4f: {  	_ =	shalt  }
0x50: {  	_ =	shalt  }
0x51: {  	_ =	shalt  }
0x52: {  	_ =	shalt  }
0x53: {  	_ =	shalt  }
0x54: {  	_ =	shalt  }
0x55: {  	_ =	shalt  }
0x56: {  	_ =	shalt  }
0x57: {  	_ =	shalt  }
0x58: {  	_ =	shalt  }
0x59: {  	_ =	shalt  }
0x5a: {  	_ =	shalt  }
0x5b: {  	_ =	shalt  }
0x5c: {  	_ =	shalt  }
0x5d: {  	_ =	shalt  }
0x5e: {  	_ =	shalt  }
0x5f: {  	_ =	shalt  }
0x60: {  	_ =	shalt  }
0x61: {  	_ =	shalt  }
0x62: {  	_ =	shalt  }
0x63: {  	_ =	shalt  }
0x64: {  	_ =	shalt  }
0x65: {  	_ =	shalt  }
0x66: {  	_ =	shalt  }
0x67: {  	_ =	shalt  }
0x68: {  	_ =	shalt  }
0x69: {  	_ =	shalt  }
0x6a: {  	_ =	shalt  }
0x6b: {  	_ =	shalt  }
0x6c: {  	_ =	shalt  }
0x6d: {  	_ =	shalt  }
0x6e: {  	_ =	shalt  }
0x6f: {  	_ =	shalt  }
0x70: {  	_ =	shalt  }
0x71: {  	_ =	shalt  }
0x72: {  	_ =	shalt  }
0x73: {  	_ =	shalt  }
0x74: {  	_ =	shalt  }
0x75: {  	_ =	shalt  }
0x76: {  	_ =	shalt  }
0x77: {  	_ =	shalt  }
0x78: {  	_ =	shalt  }
0x79: {  	_ =	shalt  }
0x7a: {  	_ =	shalt  }
0x7b: {  	_ =	shalt  }
0x7c: {  	_ =	shalt  }
0x7d: {  	_ =	shalt  }
0x7e: {  	_ =	shalt  }
0x7f: {  	_ =	shalt  }
0x80: {  	_ =	shalt  }
0x81: {  	_ =	shalt  }
0x82: {  	_ =	shalt  }
0x83: {  	_ =	shalt  }
0x84: {  	_ =	shalt  }
0x85: {  	_ =	shalt  }
0x86: {  	_ =	shalt  }
0x87: {  	_ =	shalt  }
.Lfunc_end0:
.L_simem_size_0:
called_computation.1_lowered:
.L_overlay_start_0:
0x88: {  	s2 =	sld [smem:$0x3FD9]  }
0x89: {  	s3 =	sld [smem:$0x3FFE];
	_ =	sdelay $0x1  }
0x8a: {  	s1 =	srdreg.scid  }
0x8b: {  	s0 =	sand.u32 $0x1, s1  }
0x8c: {  	s14 =	sshll.u32 s0, $0xA;
	s2 =	sadd.s32 s3, s2  }
0x8d: {  	s2 =	sadd.s32 s2, s14  }
0x8e: {  	[smem:$0x3FC0] =	sst s2  }
0x8f: {  	_ = 	snop  }
0x90: {  	s2 =	sld [smem:$0x3FD0];
	_ =	sdelay $0x2  }
0x91: {  	s15 =	simm.s32 $0xA;
	s4 =	simm.s32 $0x10  }
0x92: {  	[smem:s4], [sflag:s15] =	dma.local [hbm:s2], $0x1  }
0x93: {  	_ =	swait.eq [sflag:s15], $0x1  }
0x94: {  	[sflag:s15] =	ssyncset.done $0x0  }
0x95: {  	[sflag:s15] =	ssyncadd.s32 $0xFFFFFFFF  }
0x96: {  	s16 =	sld [smem:$0x10];
	(tm) =	ssettm $0x1  }
0x97: {  	s17 =	sld [smem:$0x3FFB];
	_ =	sdelay $0x3  }
0x98: {  	_ =	strace s17  }
0x99: {  	s3 =	sld [smem:$0x3FFC];
	_ =	sdelay $0x3  }
0x9a: {  	_ =	strace s3  }
0x9b: {  	s3 =	sld [smem:$0x3FFD];
	_ =	sdelay $0x3  }
0x9c: {  	_ =	strace s3  }
0x9d: {  	_ =	strace $0x8FFFFFFF  }
0x9e: {  	s18 =	sld [smem:$0x3FDB];
	_ =	sdelay $0x1  }
0x9f: {  	s19 =	simm.s32 $_scs_section_size  }
0xa0: {  	s5 =	simm.s32 $_size__tile_overlayer_lowered;
	s6 =	simm.s32 $_tile_overlayer_lowered  }
0xa1: {  	s22 =	simm.s32 $0x1BFF;
	s21 =	sshll.u32 s6, $0x1;
	s3 =	sadd.s32 s19, s18  }
0xa2: {  	s7 =	simm.s32 $0x0;
	s20 =	sshll.u32 s5, $0x1;
	s5 =	sadd.s32 s21, s3  }
0xa3: {  	[timem:s7], [sflag:s22] =	dma.local [hbm:s5], s20  }
0xa4: {  	_ =	swait.ge [sflag:s22], s20  }
0xa5: {  	s4 =	ssub.s32 $0x0, s20;
	[sflag:s22] =	ssyncset.done $0x0  }
0xa6: {  	[sflag:s22] =	ssyncadd.s32 s4;
	_ =	sdelay $0x1  }
0xa7: {  	s23 =	simm.s32 $0x1B8B  }
0xa8: {  	_ =	swait.ge [sflag:s23], $0x1  }
0xa9: {  	[sflag:s23] =	ssyncset.done $0x0  }
0xaa: {  	s25 =	simm.s32 $0x1B8E;
	s24 =	sld [smem:$0x3FFE];
	[sflag:s23] =	ssyncadd.s32 $0xFFFFFFFF  }
0xab: {  	s26 =	simm.s32 $execute0_lowered;
	[smem:$0x3FD2] =	sst s25  }
0xac: {  	s5 =	sshll.u32 s26, $0x1;
	_ =	strace $0x80000049;
	[dreg:$0x1] =	wrdreg $0xFFFFFFFF  }
0xad: {  	s28 =	simm.s32 $_size_execute0_lowered;
	s3 =	sadd.s32 s3, s5;
	[dreg:$0x0] =	wrdreg $0x0  }
0xae: {  	s5 =	sshll.u32 s28, $0x1;
	[dreg:$0x2] =	wrdreg s3  }
0xaf: {  	[dreg:$0x3] =	wrdreg s5  }
0xb0: {  	[dreg:$0x4] =	wrdreg $0xC0  }
0xb1: {  	_ =	task [dreg:s7], $0x5FFFF  }
0xb2: {  	[dreg:$0x1] =	wrdreg $0xFFFFFFFF  }
0xb3: {  	[dreg:$0x0] =	wrdreg $0x60  }
0xb4: {  	[dreg:$0x2] =	wrdreg s24  }
0xb5: {  	[dreg:$0x3] =	wrdreg s16  }
0xb6: {  	[dreg:$0x4] =	wrdreg $0x68000  }
0xb7: {  	[dreg:$0x5] =	wrdreg $0x108000  }
0xb8: {  	[dreg:$0x6] =	wrdreg $0x9  }
0xb9: {  	_ =	task.clear_ibuf [dreg:s7], $0x7FFFF;
	_ =	strace $0x90000049  }
0xba: {  	s29 =	simm.s32 $0x9;
	_ =	strace $0x8000004B  }
0xbb: {  	_ =	swait.ge [sflag:s29], $0x1  }
0xbc: {  	[sflag:s29] =	ssyncadd.s32 $0xFFFFFFFF  }
0xbd: {  	_ =	strace $0x9000004B  }
0xbe: {  	_ =	sfence  }
0xbf: {  	s30 =	sld [smem:$0x0];
	_ =	sdelay $0x2  }
0xc0: {  	s31 =	sshll.u32 s1, $0xD;
	s1 =	sshrl.u32 s1, $0x2  }
0xc1: {  	s3 =	sand.u32 $0x4000, s31;
	s1 =	sadd.s32 s1, s30  }
0xc2: {  	s0 =	sor.u32 s3, s0;
	s1 =	sshll.u32 s1, $0x11  }
0xc3: {  	s0 =	sor.u32 s1, s0  }
0xc4: {  	s0 =	sadd.s32 $0x8F2B, s0  }
0xc5: {  	[sflag:s0] =	ssyncadd.remote.s32 $0x1  }
0xc6: {  	_ =	sfence.sel $0xFFFF  }
0xc7: {  	[dreg:$0x0] =	wrdreg $0xFFFFFFFF;
	(pc) =	sbr.abs _section_cstart, $3  }
0xc8: {  	[dreg:$0x1] =	wrdreg $0xFFFFFFFF  }
0xc9: {  	_ =	task.clear_ibuf [dreg:s7], $0x2FFFF;
	_ =	strace $0x9FFFFFFF  }
0xca: {  	(tm) =	ssettm $0x7FFFFFFF  }
0xcb: {  	_ =	shalt  }
tec
execute0_lowered:
.L_overlay_start_1:
0x0: {  	(tag) =	ssettag $0x1  }
0x1: {  	s5 =	rddreg [dreg:$0x0]  }
0x2: {  	s8 =	rddreg [dreg:$0x1]  }
0x3: {  	s2 =	rddreg [dreg:$0x2]  }
0x4: {  	s3 =	rddreg [dreg:$0x3]  }
0x5: {  	s0 =	rddreg [dreg:$0x4]  }
0x6: {  	s4 =	simm.s32 $0x0;
	s1 =	stileid.u32;
	s6 =	srdreg.scid  }
0x7: {  	s17 =	simm.s32 $0x80;
	s18 =	simm.s32 $0x2800;
	s19 =	simm.s32 $0x4800  }
0x8: {  	s20 =	simm.s32 $0x1;
	s21 =	simm.s32 $0x1480;
	s22 =	simm.s32 $0x2  }
0x9: {  	s23 =	simm.s32 $0x0;
	s9 =	smul.u32 $0xA000, s1;
	s6 =	sand.u32 $0x1, s6  }
0xa: {  	s7 =	sshll.u32 s1, $0x1;
	[smem:$0x7FF] =	sst s4;
	s14 =	sshll.u32 s1, $0x6  }
0xb: {  	s7 =	sor.u32 s6, s7;
	s10 =	smul.u32 $0xA0000, s6;
	_ =	strace $0x8000004A  }
0xc: {  	s6 =	ssub.s32 $0x2, s6;
	s14 =	sor.u32 $0x1C03, s14;
	s11 =	sshrl.u32 s9, $0x3  }
0xd: {  	s7 =	smul.u32 $0x280, s7;
	s12 =	sshrl.u32 s6, $0x1;
	s15 =	sadd.s32 s9, s2  }
0xe: {  	s16 =	sadd.s32 s9, s3;
	s11 =	sadd.s32 s11, s5;
	s10 =	sadd.s32 s9, s10  }
0xf: {  	s12 =	ssub.s32 s6, s12;
	s15 =	sshrl.u32 s15, $0x3;
	s16 =	sshrl.u32 s16, $0x3  }
0x10: {  	s7 =	sadd.s32 s7, s5;
	s10 =	sshrl.u32 s10, $0x3;
	s9 =	sadd.s32 $0x9E000, s11  }
0x11: {  	s13 =	sadd.s32 s10, s5;
	s5 =	sadd.s32 $0xD000, s7;
	s6 =	sadd.s32 $0x3000, s7  }
0x12: {  	s7 =	sadd.s32 $0x8A000, s11;
	s8 =	sadd.s32 s8, s10;
	s11 =	smax.u32 s12, $0x1  }
0x13: {  	s12 =	simm.s32 $0x3;
	s10 =	sadd.s32 $0xB2000, s13;
	s13 =	simm.s32 $0x1400  }
.LBB2_1:
0x14: {  	[tilespmem:s4], [sflag:$0x3] =	stream.linear.gather [hbm4b:s5+s4], $0x1400, $0x38;
	[tilespmem:$0x1A800] =	vst v63  }
0x15: {  	_ =	swait.ge [sflag:s12], $0x1400  }
0x16: {  	[sflag:s12] =	ssyncset.done $0x0  }
0x17: {  	[sflag:s12] =	ssyncadd.s32 $0xFFFFEC00  }
0x18: {  	[tilespmem:s13], [sflag:$0x3] =	stream.linear.gather [hbm4b:s6+s4], $0x1400, $0x38;
	[tilespmem:$0x1A800] =	vst v63  }
0x19: {  	_ =	swait.ge [sflag:s12], $0x1400  }
0x1a: {  	[sflag:s12] =	ssyncset.done $0x0  }
0x1b: {  	[sflag:s12] =	ssyncadd.s32 $0xFFFFEC00  }
0x1c: {  	[spmem:s15], [sflag:s14] =	dma.local [hbm:s7], $0x1400  }
0x1d: {  	_ =	swait.ge [sflag:s12], $0x1400  }
0x1e: {  	[sflag:s12] =	ssyncset.done $0x0  }
0x1f: {  	[sflag:s12] =	ssyncadd.s32 $0xFFFFEC00  }
0x20: {  	[spmem:s16], [sflag:s14] =	dma.local [hbm:s7], $0x1400  }
0x21: {  	_ =	swait.ge [sflag:s12], $0x1400  }
0x22: {  	[sflag:s12] =	ssyncset.done $0x0  }
0x23: {  	[sflag:s12] =	ssyncadd.s32 $0xFFFFEC00  }
0x24: {  	[bflag:$0x0] =	sbarrier.arrive $0xFFFF  }
0x25: {  	[tilespmem:s18], [sflag:$0x3] =	stream.indirect.gather [spmem:s3], $0x40, s4, s17, $0xb8;
	[tilespmem:$0x1A800] =	vst v63  }
0x26: {  	_ =	swait.ge [sflag:s12], $0x2000  }
0x27: {  	[sflag:s12] =	ssyncset.done $0x0  }
0x28: {  	[sflag:s12] =	ssyncadd.s32 $0xFFFFE000  }
0x29: {  	[spmem:s2] =	stream.indirect.scatter.add.f32 [tilespmem:s18], [sflag:$0x1], $0x40, s13, s17, $0xb8;
	[tilespmem:$0x1A800] =	vst v63  }
0x2a: {  	_ = 	snop  }
0x2b: {  	[tilespmem:s19], [sflag:$0x3] =	stream.indirect.gather [spmem:s3], $0x40, s17, s17, $0xb8;
	[tilespmem:$0x1A800] =	vst v63  }
0x2c: {  	_ =	swait.ge [sflag:s12], $0x2000  }
0x2d: {  	[sflag:s12] =	ssyncset.done $0x0  }
0x2e: {  	[sflag:s12] =	ssyncadd.s32 $0xFFFFE000  }
0x2f: {  	_ =	swait.ge [sflag:s20], $0x2000  }
0x30: {  	[sflag:s20] =	ssyncset.done $0x0  }
0x31: {  	[sflag:s20] =	ssyncadd.s32 $0xFFFFE000  }
0x32: {  	[spmem:s2] =	stream.indirect.scatter.add.f32 [tilespmem:s19], [sflag:$0x2], $0x40, s21, s17, $0xb8;
	[tilespmem:$0x1A800] =	vst v63  }
0x33: {  	s24 =	simm.s32 $0x100  }
0x34: {  	[tilespmem:s18], [sflag:$0x3] =	stream.indirect.gather [spmem:s3], $0x40, s24, s17, $0xb8;
	[tilespmem:$0x1A800] =	vst v63  }
0x35: {  	_ =	swait.ge [sflag:s12], $0x2000  }
0x36: {  	[sflag:s12] =	ssyncset.done $0x0  }
0x37: {  	[sflag:s12] =	ssyncadd.s32 $0xFFFFE000  }
0x38: {  	_ =	swait.ge [sflag:s22], $0x2000  }
0x39: {  	[sflag:s22] =	ssyncset.done $0x0  }
0x3a: {  	s30 =	simm.s32 $0x1500;
	[sflag:s22] =	ssyncadd.s32 $0xFFFFE000  }
0x3b: {  	[spmem:s2] =	stream.indirect.scatter.add.f32 [tilespmem:s18], [sflag:$0x1], $0x40, s30, s17, $0xb8;
	[tilespmem:$0x1A800] =	vst v63  }
0x3c: {  	s31 =	simm.s32 $0x180  }
0x3d: {  	[tilespmem:s19], [sflag:$0x3] =	stream.indirect.gather [spmem:s3], $0x40, s31, s17, $0xb8;
	[tilespmem:$0x1A800] =	vst v63  }
0x3e: {  	_ =	swait.ge [sflag:s12], $0x2000  }
0x3f: {  	[sflag:s12] =	ssyncset.done $0x0  }
0x40: {  	[sflag:s12] =	ssyncadd.s32 $0xFFFFE000  }
0x41: {  	_ =	swait.ge [sflag:s20], $0x2000  }
0x42: {  	s25 =	simm.s32 $0xFFFFBC00;
	[sflag:s20] =	ssyncset.done $0x0  }
0x43: {  	s26 =	simm.s32 $0x1580;
	s24 =	simm.s32 $0xFFFFEE00;
	[sflag:s20] =	ssyncadd.s32 $0xFFFFE000  }
.LBB2_2:
0x44: {  	[spmem:s2] =	stream.indirect.scatter.add.f32 [tilespmem:s19], [sflag:$0x2], $0x40, s26, s17, $0xb8;
	[tilespmem:$0x1A800] =	vst v63  }
0x45: {  	s26 =	smov.u32 s25  }
0x46: {  	s29 =	sadd.s32 $0x400, s25;
	s28 =	sshra.s32 s26, $0x2;
	s26 =	sadd.s32 $0x1400, s24  }
0x47: {  	[tilespmem:s18], [sflag:$0x3] =	stream.indirect.gather [spmem:s3], $0x40, s26, s17, $0xb8;
	[tilespmem:$0x1A800] =	vst v63  }
0x48: {  	p0 =	sne.s32 s25, $0xFFFFFC00;
	_ =	swait.ge [sflag:s12], $0x2000  }
0x49: {  	[sflag:s12] =	ssyncset.done $0x0  }
0x4a: {  	[sflag:s12] =	ssyncadd.s32 $0xFFFFE000  }
0x4b: {  	_ =	swait.ge [sflag:s22], $0x2000  }
0x4c: {  	[sflag:s22] =	ssyncset.done $0x0  }
0x4d: {  	s25 =	sadd.s32 $0x2800, s24;
	[sflag:s22] =	ssyncadd.s32 $0xFFFFE000  }
0x4e: {  	[spmem:s2] =	stream.indirect.scatter.add.f32 [tilespmem:s18], [sflag:$0x1], $0x40, s25, s17, $0xb8;
	[tilespmem:$0x1A800] =	vst v63  }
0x4f: {  	s25 =	sadd.s32 $0x1480, s24  }
0x50: {  	[tilespmem:s19], [sflag:$0x3] =	stream.indirect.gather [spmem:s3], $0x40, s25, s17, $0xb8;
	[tilespmem:$0x1A800] =	vst v63  }
0x51: {  	_ =	swait.ge [sflag:s12], $0x2000  }
.Ltmp0:
0x52: {  	[sflag:s12] =	ssyncset.done $0x0;
	(pc) =	sbr.rel @p0 .LBB2_2-.Ltmp0, $4  }
0x53: {  	[sflag:s12] =	ssyncadd.s32 $0xFFFFE000  }
0x54: {  	_ =	swait.ge [sflag:s20], $0x2000  }
0x55: {  	s26 =	sadd.s32 $0x2880, s24;
	[sflag:s20] =	ssyncset.done $0x0  }
0x56: {  	s24 =	smov.u32 s28;
	s25 =	smov.u32 s29;
	[sflag:s20] =	ssyncadd.s32 $0xFFFFE000  }
0x57: {  	[spmem:s2] =	stream.indirect.scatter.add.f32 [tilespmem:s19], [sflag:$0x2], $0x40, s26, s17, $0xb8;
	[tilespmem:$0x1A800] =	vst v63  }
0x58: {  	s25 =	sadd.s32 $0x1400, s24  }
0x59: {  	[tilespmem:s18], [sflag:$0x3] =	stream.indirect.gather [spmem:s3], $0x40, s25, s17, $0xb8;
	[tilespmem:$0x1A800] =	vst v63  }
0x5a: {  	_ =	swait.ge [sflag:s12], $0x2000  }
0x5b: {  	[sflag:s12] =	ssyncset.done $0x0  }
0x5c: {  	[sflag:s12] =	ssyncadd.s32 $0xFFFFE000  }
0x5d: {  	_ =	swait.ge [sflag:s22], $0x2000  }
0x5e: {  	[sflag:s22] =	ssyncset.done $0x0  }
0x5f: {  	s31 =	sadd.s32 $0x2800, s24;
	[sflag:s22] =	ssyncadd.s32 $0xFFFFE000  }
0x60: {  	[spmem:s2] =	stream.indirect.scatter.add.f32 [tilespmem:s18], [sflag:$0x1], $0x40, s31, s17, $0xb8;
	[tilespmem:$0x1A800] =	vst v63  }
0x61: {  	s26 =	sadd.s32 $0x1480, s24  }
0x62: {  	[tilespmem:s19], [sflag:$0x3] =	stream.indirect.gather [spmem:s3], $0x40, s26, s17, $0xb8;
	[tilespmem:$0x1A800] =	vst v63  }
0x63: {  	_ =	swait.ge [sflag:s12], $0x2000  }
0x64: {  	[sflag:s12] =	ssyncset.done $0x0  }
0x65: {  	[sflag:s12] =	ssyncadd.s32 $0xFFFFE000  }
0x66: {  	_ =	swait.ge [sflag:s20], $0x2000  }
0x67: {  	[sflag:s20] =	ssyncset.done $0x0  }
0x68: {  	s28 =	sadd.s32 $0x2880, s24;
	[sflag:s20] =	ssyncadd.s32 $0xFFFFE000  }
0x69: {  	[spmem:s2] =	stream.indirect.scatter.add.f32 [tilespmem:s19], [sflag:$0x2], $0x40, s28, s17, $0xb8;
	[tilespmem:$0x1A800] =	vst v63  }
0x6a: {  	_ =	swait.ge [sflag:s22], $0x2000  }
0x6b: {  	[sflag:s22] =	ssyncset.done $0x0  }
0x6c: {  	[sflag:s22] =	ssyncadd.s32 $0xFFFFE000  }
0x6d: {  	[bflag:$0x0] =	sbarrier.arrive $0xFFFF  }
0x6e: {  	[hbm:s8], [sflag:s14] =	dma.local [spmem:s15], $0x1400  }
0x6f: {  	_ =	swait.ge [sflag:s12], $0x1400  }
0x70: {  	[sflag:s12] =	ssyncset.done $0x0  }
0x71: {  	[sflag:s12] =	ssyncadd.s32 $0xFFFFEC00  }
0x72: {  	[bflag:$0x0] =	sbarrier.arrive $0xFFFF  }
0x73: {  	[spmem:s15], [sflag:s14] =	dma.local [hbm:s9], $0x1400  }
0x74: {  	_ =	swait.ge [sflag:s12], $0x1400  }
0x75: {  	[sflag:s12] =	ssyncset.done $0x0  }
0x76: {  	[sflag:s12] =	ssyncadd.s32 $0xFFFFEC00  }
0x77: {  	[spmem:s16], [sflag:s14] =	dma.local [hbm:s9], $0x1400  }
0x78: {  	_ =	swait.ge [sflag:s12], $0x1400  }
0x79: {  	[sflag:s12] =	ssyncset.done $0x0  }
0x7a: {  	[sflag:s12] =	ssyncadd.s32 $0xFFFFEC00  }
0x7b: {  	[bflag:$0x0] =	sbarrier.arrive $0xFFFF  }
0x7c: {  	[tilespmem:s18], [sflag:$0x3] =	stream.indirect.gather [spmem:s3], $0x40, s4, s17, $0xb8;
	[tilespmem:$0x1A800] =	vst v63  }
0x7d: {  	_ =	swait.ge [sflag:s12], $0x2000  }
0x7e: {  	[sflag:s12] =	ssyncset.done $0x0  }
0x7f: {  	[sflag:s12] =	ssyncadd.s32 $0xFFFFE000  }
0x80: {  	[spmem:s2] =	stream.indirect.scatter.add.f32 [tilespmem:s18], [sflag:$0x1], $0x40, s13, s17, $0xb8;
	[tilespmem:$0x1A800] =	vst v63  }
0x81: {  	_ = 	snop  }
0x82: {  	[tilespmem:s19], [sflag:$0x3] =	stream.indirect.gather [spmem:s3], $0x40, s17, s17, $0xb8;
	[tilespmem:$0x1A800] =	vst v63  }
0x83: {  	_ =	swait.ge [sflag:s12], $0x2000  }
0x84: {  	[sflag:s12] =	ssyncset.done $0x0  }
0x85: {  	[sflag:s12] =	ssyncadd.s32 $0xFFFFE000  }
0x86: {  	_ =	swait.ge [sflag:s20], $0x2000  }
0x87: {  	[sflag:s20] =	ssyncset.done $0x0  }
0x88: {  	[sflag:s20] =	ssyncadd.s32 $0xFFFFE000  }
0x89: {  	[spmem:s2] =	stream.indirect.scatter.add.f32 [tilespmem:s19], [sflag:$0x2], $0x40, s21, s17, $0xb8;
	[tilespmem:$0x1A800] =	vst v63  }
0x8a: {  	s29 =	simm.s32 $0x100  }
0x8b: {  	[tilespmem:s18], [sflag:$0x3] =	stream.indirect.gather [spmem:s3], $0x40, s29, s17, $0xb8;
	[tilespmem:$0x1A800] =	vst v63  }
0x8c: {  	_ =	swait.ge [sflag:s12], $0x2000  }
0x8d: {  	[sflag:s12] =	ssyncset.done $0x0  }
0x8e: {  	[sflag:s12] =	ssyncadd.s32 $0xFFFFE000  }
0x8f: {  	_ =	swait.ge [sflag:s22], $0x2000  }
0x90: {  	[sflag:s22] =	ssyncset.done $0x0  }
0x91: {  	s30 =	simm.s32 $0x1500;
	[sflag:s22] =	ssyncadd.s32 $0xFFFFE000  }
0x92: {  	[spmem:s2] =	stream.indirect.scatter.add.f32 [tilespmem:s18], [sflag:$0x1], $0x40, s30, s17, $0xb8;
	[tilespmem:$0x1A800] =	vst v63  }
0x93: {  	s31 =	simm.s32 $0x180  }
0x94: {  	[tilespmem:s19], [sflag:$0x3] =	stream.indirect.gather [spmem:s3], $0x40, s31, s17, $0xb8;
	[tilespmem:$0x1A800] =	vst v63  }
0x95: {  	_ =	swait.ge [sflag:s12], $0x2000  }
0x96: {  	[sflag:s12] =	ssyncset.done $0x0  }
0x97: {  	[sflag:s12] =	ssyncadd.s32 $0xFFFFE000  }
0x98: {  	_ =	swait.ge [sflag:s20], $0x2000  }
0x99: {  	s24 =	simm.s32 $0xFFFFEE00;
	[sflag:s20] =	ssyncset.done $0x0  }
0x9a: {  	s25 =	simm.s32 $0xFFFFBC00;
	s26 =	simm.s32 $0x1580;
	[sflag:s20] =	ssyncadd.s32 $0xFFFFE000  }
.LBB2_4:
0x9b: {  	[spmem:s2] =	stream.indirect.scatter.add.f32 [tilespmem:s19], [sflag:$0x2], $0x40, s26, s17, $0xb8;
	[tilespmem:$0x1A800] =	vst v63  }
0x9c: {  	s26 =	smov.u32 s25  }
0x9d: {  	s29 =	sadd.s32 $0x400, s25;
	s28 =	sshra.s32 s26, $0x2;
	s26 =	sadd.s32 $0x1400, s24  }
0x9e: {  	[tilespmem:s18], [sflag:$0x3] =	stream.indirect.gather [spmem:s3], $0x40, s26, s17, $0xb8;
	[tilespmem:$0x1A800] =	vst v63  }
0x9f: {  	p0 =	sne.s32 s25, $0xFFFFFC00;
	_ =	swait.ge [sflag:s12], $0x2000  }
0xa0: {  	[sflag:s12] =	ssyncset.done $0x0  }
0xa1: {  	[sflag:s12] =	ssyncadd.s32 $0xFFFFE000  }
0xa2: {  	_ =	swait.ge [sflag:s22], $0x2000  }
0xa3: {  	[sflag:s22] =	ssyncset.done $0x0  }
0xa4: {  	s25 =	sadd.s32 $0x2800, s24;
	[sflag:s22] =	ssyncadd.s32 $0xFFFFE000  }
0xa5: {  	[spmem:s2] =	stream.indirect.scatter.add.f32 [tilespmem:s18], [sflag:$0x1], $0x40, s25, s17, $0xb8;
	[tilespmem:$0x1A800] =	vst v63  }
0xa6: {  	s25 =	sadd.s32 $0x1480, s24  }
0xa7: {  	[tilespmem:s19], [sflag:$0x3] =	stream.indirect.gather [spmem:s3], $0x40, s25, s17, $0xb8;
	[tilespmem:$0x1A800] =	vst v63  }
0xa8: {  	_ =	swait.ge [sflag:s12], $0x2000  }
.Ltmp1:
0xa9: {  	[sflag:s12] =	ssyncset.done $0x0;
	(pc) =	sbr.rel @p0 .LBB2_4-.Ltmp1, $4  }
0xaa: {  	[sflag:s12] =	ssyncadd.s32 $0xFFFFE000  }
0xab: {  	_ =	swait.ge [sflag:s20], $0x2000  }
0xac: {  	s26 =	sadd.s32 $0x2880, s24;
	[sflag:s20] =	ssyncset.done $0x0  }
0xad: {  	s24 =	smov.u32 s28;
	s25 =	smov.u32 s29;
	[sflag:s20] =	ssyncadd.s32 $0xFFFFE000  }
0xae: {  	[spmem:s2] =	stream.indirect.scatter.add.f32 [tilespmem:s19], [sflag:$0x2], $0x40, s26, s17, $0xb8;
	[tilespmem:$0x1A800] =	vst v63  }
0xaf: {  	s25 =	sadd.s32 $0x1400, s24  }
0xb0: {  	[tilespmem:s18], [sflag:$0x3] =	stream.indirect.gather [spmem:s3], $0x40, s25, s17, $0xb8;
	[tilespmem:$0x1A800] =	vst v63  }
0xb1: {  	_ =	swait.ge [sflag:s12], $0x2000  }
0xb2: {  	[sflag:s12] =	ssyncset.done $0x0  }
0xb3: {  	[sflag:s12] =	ssyncadd.s32 $0xFFFFE000  }
0xb4: {  	_ =	swait.ge [sflag:s22], $0x2000  }
0xb5: {  	[sflag:s22] =	ssyncset.done $0x0  }
0xb6: {  	s29 =	sadd.s32 $0x2800, s24;
	[sflag:s22] =	ssyncadd.s32 $0xFFFFE000  }
0xb7: {  	[spmem:s2] =	stream.indirect.scatter.add.f32 [tilespmem:s18], [sflag:$0x1], $0x40, s29, s17, $0xb8;
	[tilespmem:$0x1A800] =	vst v63  }
0xb8: {  	s30 =	sadd.s32 $0x1480, s24  }
0xb9: {  	[tilespmem:s19], [sflag:$0x3] =	stream.indirect.gather [spmem:s3], $0x40, s30, s17, $0xb8;
	[tilespmem:$0x1A800] =	vst v63  }
0xba: {  	_ =	swait.ge [sflag:s12], $0x2000  }
0xbb: {  	[sflag:s12] =	ssyncset.done $0x0  }
0xbc: {  	[sflag:s12] =	ssyncadd.s32 $0xFFFFE000  }
0xbd: {  	_ =	swait.ge [sflag:s20], $0x2000  }
0xbe: {  	[sflag:s20] =	ssyncset.done $0x0  }
0xbf: {  	s31 =	sadd.s32 $0x2880, s24;
	[sflag:s20] =	ssyncadd.s32 $0xFFFFE000  }
0xc0: {  	[spmem:s2] =	stream.indirect.scatter.add.f32 [tilespmem:s19], [sflag:$0x2], $0x40, s31, s17, $0xb8;
	[tilespmem:$0x1A800] =	vst v63  }
0xc1: {  	_ =	swait.ge [sflag:s22], $0x2000  }
0xc2: {  	s23 =	sadd.s32 $0x1, s23;
	[sflag:s22] =	ssyncset.done $0x0  }
0xc3: {  	p0 =	sne.s32 s23, s11;
	[sflag:s22] =	ssyncadd.s32 $0xFFFFE000  }
.Ltmp2:
0xc4: {  	[bflag:$0x0] =	sbarrier.arrive $0xFFFF;
	(pc) =	sbr.rel @p0 .LBB2_1-.Ltmp2, $4  }
0xc5: {  	[hbm:s10], [sflag:s14] =	dma.local [spmem:s15], $0x1400  }
0xc6: {  	_ =	swait.ge [sflag:s12], $0x1400  }
0xc7: {  	[sflag:s12] =	ssyncset.done $0x0  }
0xc8: {  	[sflag:s12] =	ssyncadd.s32 $0xFFFFEC00  }
0xc9: {  	_ =	sfence.sel $0x180000  }
0xca: {  	[bflag:$0x0] =	sbarrier.arrive $0xFFFF  }
0xcb: {  	p0 =	sne.s32 s1, $0x0;
	_ =	strace $0x9000004A  }
0xcc: {  	s0 =	sadd.s32 @!p0 $0x100000, s0;
	[bflag:$0x2] =	sbarrier.arrive $0xFFFF  }
0xcd: {  	[sflag:s0] =	ssyncadd.tile.s32 @!p0 $0x1;
	_ =	shalt  }
.Lfunc_end2:
_tile_overlayer_lowered:
.L_overlay_start_2:
0xce: {  	(tag) =	ssettag $0x2  }
0xcf: {  	s0 =	rddreg [dreg:$0x0];
	s2 =	stileid.u32  }
0xd0: {  	s1 =	rddreg [dreg:$0x1];
	p0 =	sne.s32 s2, $0x0  }
0xd1: {  	s3 =	rddreg [dreg:$0x2];
	[bflag:$0x3] =	sbarrier.arrive $0xFFFF;
	s2 =	simm.s32 @!p0 $0x1C03  }
0xd2: {  	[timem:s3], [sflag:s2] =	dma.local @!p0 [hbm:s0], s1  }
0xd3: {  	s0 =	simm.s32 @!p0 $0x3  }
0xd4: {  	_ =	swait.ge @!p0 [sflag:s0], s1  }
0xd5: {  	s1 =	ssub.s32 @!p0 $0x0, s1;
	[sflag:s0] =	ssyncset.done @!p0 $0x0  }
0xd6: {  	[sflag:s0] =	ssyncadd.s32 @!p0 s1  }
0xd7: {  	[bflag:$0x3] =	sbarrier.arrive $0xFFFF  }
0xd8: {  	_ =	shalt  }

// kernel: kernel.15.cloned.1.call-start
scs
__scs_entry_jumppad:
0x0: {  	(pc) =	sbr.rel $0x88, $3  }
0x1: {  	(tag) =	ssettag $0x0;
	lr =	simm.s32 $0x1  }
0x2: {  	[smem:$0x3F99] =	sst lr;
	_ =	strace $0xD0000000  }
0x3: {  	_ = 	snop  }
0x4: {  	_ = 	snop  }
0x5: {  	_ = 	snop  }
0x6: {  	_ = 	snop  }
0x7: {  	_ = 	snop  }
__scs_overlays_trampoline_lowered:
0x8: {  	[smem:$0x3FA8] =	sst s0  }
0x9: {  	[smem:$0x3FA9] =	sst s1  }
0xa: {  	[smem:$0x3FAA] =	sst s2  }
0xb: {  	[smem:$0x3FAB] =	sst s3  }
0xc: {  	[smem:$0x3FAC] =	sst s4  }
0xd: {  	[smem:$0x3FAD] =	sst s5  }
0xe: {  	[smem:$0x3FAE] =	sst s6  }
0xf: {  	[smem:$0x3FAF] =	sst s7  }
0x10: {  	[smem:$0x3FB0] =	sst s8  }
0x11: {  	[smem:$0x3FB1] =	sst s9;
	s0 =	simm.s32 @!p0 $0x0  }
0x12: {  	s1 =	sld [smem:$0x3F97];
	s0 =	simm.s32 @p0 $0x1  }
0x13: {  	[smem:$0x3FB2] =	sst s0;
	s0 =	simm.s32 @!p1 $0x0  }
0x14: {  	s2 =	sld [smem:$0x3F96];
	s0 =	simm.s32 @p1 $0x1  }
0x15: {  	[smem:$0x3FB3] =	sst s0;
	s0 =	simm.s32 @!p2 $0x0  }
0x16: {  	s3 =	sld [smem:$0x3FDB];
	s0 =	simm.s32 @p2 $0x1  }
0x17: {  	s4 =	simm.s32 $0x1BF5;
	[smem:$0x3FB5] =	sst s0  }
0x18: {  	s0 =	sld [smem:$0x3F98];
	_ =	swait.ge [sflag:s4], $0x0  }
0x19: {  	s7 =	sld [smem:$0x3F99]  }
0x1a: {  	s8 =	sadd.s32 $0xFFFFE003, lr  }
0x1b: {  	s9 =	sadd.s32 $0xFFFFFEF7, lr;
	s5 =	simm.s32 $0xFFFFFFFF;
	p2 =	slt.u32 s8, $0xFFFFF086  }
0x1c: {  	p1 =	slt.u32 s9, $0xF7A;
	s5 =	simm.s32 @!p2 $0x0  }
0x1d: {  	s5 =	simm.s32 @p1 $0x1;
	p0 =	seq.s32 s7, s2  }
0x1e: {  	s7 =	smul.u32 @!p0 $0xF7A, s2;
	p2 =	seq.s32 @!p0 s5, $0x0  }
0x1f: {  	s9 =	smul.u32 $0xF7A, s1;
	s8 =	simm.s32 @!p0 $0x1BF5;
	p2 =	por !p2, p0  }
0x20: {  	[sflag:s8] =	ssyncset.s32 @!p0 $0xFFFFF086;
	s6 =	sadd.s32 @!p0 s3, s7;
	s7 =	simm.s32 @!p0 $0x108  }
0x21: {  	s3 =	sadd.s32 s3, s9;
	s6 =	sadd.s32 @!p0 $0x88, s6;
	s7 =	simm.s32 @p2 $0x1082  }
0x22: {  	[simem:s7], [sflag:s8] =	dma.local @!p0 [hbm:s6], $0xF7A  }
0x23: {  	s9 =	sor.u32 $0xD0000000, s2;
	s6 =	simm.s32 $0x108;
	_ =	swait.ge @!p0 [sflag:s8], $0x0  }
0x24: {  	s3 =	sadd.s32 $0x88, s3;
	s6 =	simm.s32 @!p1 $0x1082;
	[sflag:s4] =	ssyncset.s32 $0xFFFFF086  }
0x25: {  	[simem:s6], [sflag:s4] =	dma.local [hbm:s3], $0xF7A  }
0x26: {  	[smem:$0x3F99] =	sst s1;
	(tag) =	ssettag s2;
	_ =	strace s9  }
0x27: {  	s1 =	sld [smem:$0x3FA9]  }
0x28: {  	s2 =	sld [smem:$0x3FAA]  }
0x29: {  	s4 =	sld [smem:$0x3FAC]  }
0x2a: {  	p0 =	seq.s32 s5, $0x0;
	s5 =	sld [smem:$0x3FAD]  }
0x2b: {  	s6 =	sld [smem:$0x3FAE]  }
0x2c: {  	s7 =	sld [smem:$0x3FAF]  }
0x2d: {  	s3 =	simm.s32 $0x108;
	s8 =	sld [smem:$0x3FB0]  }
0x2e: {  	s3 =	simm.s32 @!p0 $0x1082;
	s9 =	sld [smem:$0x3FB1]  }
0x2f: {  	lr =	sadd.s32 s0, s3;
	s0 =	sld [smem:$0x3FA8]  }
0x30: {  	s3 =	sld [smem:$0x3FAB]  }
0x31: {  	[smem:$0x3FB4] =	sst s10  }
0x32: {  	s10 =	sld [smem:$0x3FB2];
	_ =	sdelay $0x3  }
0x33: {  	p0 =	seq.s32 s10, $0x1;
	s10 =	sld [smem:$0x3FB4];
	_ =	sdelay $0x3  }
0x34: {  	[smem:$0x3FB4] =	sst s10  }
0x35: {  	s10 =	sld [smem:$0x3FB3];
	_ =	sdelay $0x3  }
0x36: {  	p1 =	seq.s32 s10, $0x1;
	s10 =	sld [smem:$0x3FB4];
	_ =	sdelay $0x3  }
0x37: {  	[smem:$0x3FB4] =	sst s10  }
0x38: {  	s10 =	sld [smem:$0x3FB5]  }
0x39: {  	_ = 	snop;
	(pc) =	sbr.ind lr, $3  }
0x3a: {  	_ = 	snop  }
0x3b: {  	_ = 	snop  }
0x3c: {  	p2 =	seq.s32 s10, $0x1;
	s10 =	sld [smem:$0x3FB4]  }
0x3d: {  	_ =	shalt  }
0x3e: {  	_ =	shalt  }
0x3f: {  	_ =	shalt  }
0x40: {  	_ =	shalt  }
0x41: {  	_ =	shalt  }
0x42: {  	_ =	shalt  }
0x43: {  	_ =	shalt  }
0x44: {  	_ =	shalt  }
0x45: {  	_ =	shalt  }
0x46: {  	_ =	shalt  }
0x47: {  	_ =	shalt  }
0x48: {  	_ =	shalt  }
0x49: {  	_ =	shalt  }
0x4a: {  	_ =	shalt  }
0x4b: {  	_ =	shalt  }
0x4c: {  	_ =	shalt  }
0x4d: {  	_ =	shalt  }
0x4e: {  	_ =	shalt  }
0x4f: {  	_ =	shalt  }
0x50: {  	_ =	shalt  }
0x51: {  	_ =	shalt  }
0x52: {  	_ =	shalt  }
0x53: {  	_ =	shalt  }
0x54: {  	_ =	shalt  }
0x55: {  	_ =	shalt  }
0x56: {  	_ =	shalt  }
0x57: {  	_ =	shalt  }
0x58: {  	_ =	shalt  }
0x59: {  	_ =	shalt  }
0x5a: {  	_ =	shalt  }
0x5b: {  	_ =	shalt  }
0x5c: {  	_ =	shalt  }
0x5d: {  	_ =	shalt  }
0x5e: {  	_ =	shalt  }
0x5f: {  	_ =	shalt  }
0x60: {  	_ =	shalt  }
0x61: {  	_ =	shalt  }
0x62: {  	_ =	shalt  }
0x63: {  	_ =	shalt  }
0x64: {  	_ =	shalt  }
0x65: {  	_ =	shalt  }
0x66: {  	_ =	shalt  }
0x67: {  	_ =	shalt  }
0x68: {  	_ =	shalt  }
0x69: {  	_ =	shalt  }
0x6a: {  	_ =	shalt  }
0x6b: {  	_ =	shalt  }
0x6c: {  	_ =	shalt  }
0x6d: {  	_ =	shalt  }
0x6e: {  	_ =	shalt  }
0x6f: {  	_ =	shalt  }
0x70: {  	_ =	shalt  }
0x71: {  	_ =	shalt  }
0x72: {  	_ =	shalt  }
0x73: {  	_ =	shalt  }
0x74: {  	_ =	shalt  }
0x75: {  	_ =	shalt  }
0x76: {  	_ =	shalt  }
0x77: {  	_ =	shalt  }
0x78: {  	_ =	shalt  }
0x79: {  	_ =	shalt  }
0x7a: {  	_ =	shalt  }
0x7b: {  	_ =	shalt  }
0x7c: {  	_ =	shalt  }
0x7d: {  	_ =	shalt  }
0x7e: {  	_ =	shalt  }
0x7f: {  	_ =	shalt  }
0x80: {  	_ =	shalt  }
0x81: {  	_ =	shalt  }
0x82: {  	_ =	shalt  }
0x83: {  	_ =	shalt  }
0x84: {  	_ =	shalt  }
0x85: {  	_ =	shalt  }
0x86: {  	_ =	shalt  }
0x87: {  	_ =	shalt  }
.Lfunc_end0:
.L_simem_size_0:
called_computation.2_lowered:
.L_overlay_start_0:
0x88: {  	s2 =	sld [smem:$0x3FD9]  }
0x89: {  	s3 =	sld [smem:$0x3FFE];
	_ =	sdelay $0x1  }
0x8a: {  	s1 =	srdreg.scid  }
0x8b: {  	s0 =	sand.u32 $0x1, s1  }
0x8c: {  	s16 =	sshll.u32 s0, $0xA;
	s2 =	sadd.s32 s3, s2  }
0x8d: {  	s2 =	sadd.s32 s2, s16  }
0x8e: {  	[smem:$0x3FC0] =	sst s2  }
0x8f: {  	_ = 	snop  }
0x90: {  	(tm) =	ssettm $0x1  }
0x91: {  	s17 =	sld [smem:$0x3FFB];
	_ =	sdelay $0x3  }
0x92: {  	_ =	strace s17  }
0x93: {  	s2 =	sld [smem:$0x3FFC];
	_ =	sdelay $0x3  }
0x94: {  	_ =	strace s2  }
0x95: {  	s2 =	sld [smem:$0x3FFD];
	_ =	sdelay $0x3  }
0x96: {  	_ =	strace s2  }
0x97: {  	_ =	strace $0x8FFFFFFF  }
0x98: {  	s18 =	sld [smem:$0x3FDB];
	_ =	sdelay $0x1  }
0x99: {  	s19 =	simm.s32 $_scs_section_size  }
0x9a: {  	s4 =	simm.s32 $_size__tile_overlayer_lowered;
	s5 =	simm.s32 $_tile_overlayer_lowered  }
0x9b: {  	s22 =	simm.s32 $0x1BFF;
	s21 =	sshll.u32 s5, $0x1;
	s2 =	sadd.s32 s19, s18  }
0x9c: {  	s6 =	simm.s32 $0x0;
	s20 =	sshll.u32 s4, $0x1;
	s4 =	sadd.s32 s21, s2  }
0x9d: {  	[timem:s6], [sflag:s22] =	dma.local [hbm:s4], s20  }
0x9e: {  	_ =	swait.ge [sflag:s22], s20  }
0x9f: {  	s3 =	ssub.s32 $0x0, s20;
	[sflag:s22] =	ssyncset.done $0x0  }
0xa0: {  	[sflag:s22] =	ssyncadd.s32 s3;
	_ =	sdelay $0x1  }
0xa1: {  	s23 =	simm.s32 $0x1B8B  }
0xa2: {  	_ =	swait.ge [sflag:s23], $0x1  }
0xa3: {  	[sflag:s23] =	ssyncset.done $0x0  }
0xa4: {  	s25 =	simm.s32 $0x1B8E;
	s24 =	sld [smem:$0x3FFE];
	[sflag:s23] =	ssyncadd.s32 $0xFFFFFFFF  }
0xa5: {  	s26 =	simm.s32 $execute0_lowered;
	[smem:$0x3FD2] =	sst s25  }
0xa6: {  	s4 =	sshll.u32 s26, $0x1;
	_ =	strace $0x8000004C;
	[dreg:$0x1] =	wrdreg $0xFFFFFFFF  }
0xa7: {  	s28 =	simm.s32 $_size_execute0_lowered;
	s2 =	sadd.s32 s2, s4;
	[dreg:$0x0] =	wrdreg $0x0  }
0xa8: {  	s4 =	sshll.u32 s28, $0x1;
	[dreg:$0x2] =	wrdreg s2  }
0xa9: {  	[dreg:$0x3] =	wrdreg s4  }
0xaa: {  	[dreg:$0x4] =	wrdreg $0xC0  }
0xab: {  	_ =	task [dreg:s6], $0x5FFFF  }
0xac: {  	[dreg:$0x1] =	wrdreg $0xFFFFFFFF  }
0xad: {  	[dreg:$0x0] =	wrdreg $0x60  }
0xae: {  	[dreg:$0x2] =	wrdreg s24  }
0xaf: {  	[dreg:$0x3] =	wrdreg $0x48000  }
0xb0: {  	[dreg:$0x4] =	wrdreg $0x98000  }
0xb1: {  	[dreg:$0x5] =	wrdreg $0x9  }
0xb2: {  	_ =	task.clear_ibuf [dreg:s6], $0x6FFFF;
	_ =	strace $0x9000004C  }
0xb3: {  	s29 =	simm.s32 $0x9;
	_ =	strace $0x8000004E  }
0xb4: {  	_ =	swait.ge [sflag:s29], $0x1  }
0xb5: {  	[sflag:s29] =	ssyncadd.s32 $0xFFFFFFFF  }
0xb6: {  	_ =	strace $0x9000004E  }
0xb7: {  	_ =	sfence  }
0xb8: {  	s30 =	sld [smem:$0x0];
	_ =	sdelay $0x2  }
0xb9: {  	s31 =	sshll.u32 s1, $0xD;
	s1 =	sshrl.u32 s1, $0x2  }
0xba: {  	s3 =	sand.u32 $0x4000, s31;
	s1 =	sadd.s32 s1, s30  }
0xbb: {  	s0 =	sor.u32 s3, s0;
	s1 =	sshll.u32 s1, $0x11  }
0xbc: {  	s0 =	sor.u32 s1, s0  }
0xbd: {  	s0 =	sadd.s32 $0x8F2B, s0  }
0xbe: {  	[sflag:s0] =	ssyncadd.remote.s32 $0x1  }
0xbf: {  	_ =	sfence.sel $0xFFFF  }
0xc0: {  	[dreg:$0x0] =	wrdreg $0xFFFFFFFF;
	(pc) =	sbr.abs _section_cstart, $3  }
0xc1: {  	[dreg:$0x1] =	wrdreg $0xFFFFFFFF  }
0xc2: {  	_ =	task.clear_ibuf [dreg:s6], $0x2FFFF;
	_ =	strace $0x9FFFFFFF  }
0xc3: {  	(tm) =	ssettm $0x7FFFFFFF  }
tec
execute0_lowered:
.L_overlay_start_1:
0x0: {  	(tag) =	ssettag $0x1  }
0x1: {  	s5 =	rddreg [dreg:$0x0]  }
0x2: {  	s2 =	rddreg [dreg:$0x1]  }
0x3: {  	s3 =	rddreg [dreg:$0x2]  }
0x4: {  	s0 =	rddreg [dreg:$0x3];
	s1 =	stileid.u32  }
0x5: {  	s6 =	srdreg.scid;
	s4 =	simm.s32 $0x0;
	s14 =	simm.s32 $0x1400  }
0x6: {  	s15 =	simm.s32 $0x80;
	s16 =	simm.s32 $0x2800;
	s17 =	simm.s32 $0x3800  }
0x7: {  	s18 =	simm.s32 $0x1;
	s19 =	simm.s32 $0x1480;
	s20 =	simm.s32 $0x2  }
0x8: {  	s21 =	simm.s32 $0x0;
	s7 =	smul.u32 $0x5000, s1;
	s6 =	sand.u32 $0x1, s6  }
0x9: {  	[smem:$0x7FF] =	sst s4;
	s8 =	sshll.u32 s1, $0x1;
	s31 =	sshll.u32 s1, $0x6  }
0xa: {  	s9 =	smul.u32 $0x50000, s6;
	_ =	strace $0x8000004D;
	s8 =	sor.u32 s6, s8  }
0xb: {  	s6 =	ssub.s32 $0x2, s6;
	s10 =	sshrl.u32 s7, $0x3;
	s8 =	smul.u32 $0x280, s8  }
0xc: {  	s30 =	sshrl.u32 s6, $0x1;
	s12 =	sadd.s32 s7, s2;
	s13 =	sadd.s32 s7, s3  }
0xd: {  	s9 =	sadd.s32 s7, s9;
	s10 =	sadd.s32 s10, s5;
	s11 =	ssub.s32 s6, s30  }
0xe: {  	s6 =	sor.u32 $0x1C03, s31;
	s13 =	sshrl.u32 s13, $0x3;
	s9 =	sshrl.u32 s9, $0x3  }
0xf: {  	s8 =	sadd.s32 s8, s5;
	s9 =	sadd.s32 s9, s5;
	s5 =	sadd.s32 $0x3A000, s10  }
0x10: {  	s7 =	sadd.s32 $0xD000, s8;
	s8 =	sadd.s32 $0x3000, s8;
	s10 =	smax.u32 s11, $0x1  }
0x11: {  	s11 =	sshrl.u32 s12, $0x3;
	s12 =	simm.s32 $0x3;
	s9 =	sadd.s32 $0x44000, s9  }
.LBB2_1:
0x12: {  	[spmem:s11], [sflag:s6] =	dma.local [hbm:s5], $0xA00  }
0x13: {  	_ =	swait.ge [sflag:s12], $0xA00  }
0x14: {  	[sflag:s12] =	ssyncset.done $0x0  }
0x15: {  	[sflag:s12] =	ssyncadd.s32 $0xFFFFF600  }
0x16: {  	[spmem:s13], [sflag:s6] =	dma.local [hbm:s5], $0xA00  }
0x17: {  	_ =	swait.ge [sflag:s12], $0xA00  }
0x18: {  	[sflag:s12] =	ssyncset.done $0x0  }
0x19: {  	[sflag:s12] =	ssyncadd.s32 $0xFFFFF600  }
0x1a: {  	[tilespmem:s4], [sflag:$0x3] =	stream.linear.gather [hbm4b:s7+s4], $0x1400, $0x38;
	[tilespmem:$0xE800] =	vst v63  }
0x1b: {  	_ =	swait.ge [sflag:s12], $0x1400  }
0x1c: {  	[sflag:s12] =	ssyncset.done $0x0  }
0x1d: {  	[sflag:s12] =	ssyncadd.s32 $0xFFFFEC00  }
0x1e: {  	[tilespmem:s14], [sflag:$0x3] =	stream.linear.gather [hbm4b:s8+s4], $0x1400, $0x38;
	[tilespmem:$0xE800] =	vst v63  }
0x1f: {  	_ =	swait.ge [sflag:s12], $0x1400  }
0x20: {  	[sflag:s12] =	ssyncset.done $0x0  }
0x21: {  	[sflag:s12] =	ssyncadd.s32 $0xFFFFEC00  }
0x22: {  	[bflag:$0x0] =	sbarrier.arrive $0xFFFF  }
0x23: {  	[tilespmem:s16], [sflag:$0x3] =	stream.indirect.gather [spmem:s3], $0x20, s4, s15, $0xb8;
	[tilespmem:$0xE800] =	vst v63  }
0x24: {  	_ =	swait.ge [sflag:s12], $0x1000  }
0x25: {  	[sflag:s12] =	ssyncset.done $0x0  }
0x26: {  	[sflag:s12] =	ssyncadd.s32 $0xFFFFF000  }
0x27: {  	[spmem:s2] =	stream.indirect.scatter.add.f32 [tilespmem:s16], [sflag:$0x1], $0x20, s14, s15, $0xb8;
	[tilespmem:$0xE800] =	vst v63  }
0x28: {  	_ = 	snop  }
0x29: {  	[tilespmem:s17], [sflag:$0x3] =	stream.indirect.gather [spmem:s3], $0x20, s15, s15, $0xb8;
	[tilespmem:$0xE800] =	vst v63  }
0x2a: {  	_ =	swait.ge [sflag:s12], $0x1000  }
0x2b: {  	[sflag:s12] =	ssyncset.done $0x0  }
0x2c: {  	[sflag:s12] =	ssyncadd.s32 $0xFFFFF000  }
0x2d: {  	_ =	swait.ge [sflag:s18], $0x1000  }
0x2e: {  	[sflag:s18] =	ssyncset.done $0x0  }
0x2f: {  	[sflag:s18] =	ssyncadd.s32 $0xFFFFF000  }
0x30: {  	[spmem:s2] =	stream.indirect.scatter.add.f32 [tilespmem:s17], [sflag:$0x2], $0x20, s19, s15, $0xb8;
	[tilespmem:$0xE800] =	vst v63  }
0x31: {  	s22 =	simm.s32 $0x100  }
0x32: {  	[tilespmem:s16], [sflag:$0x3] =	stream.indirect.gather [spmem:s3], $0x20, s22, s15, $0xb8;
	[tilespmem:$0xE800] =	vst v63  }
0x33: {  	_ =	swait.ge [sflag:s12], $0x1000  }
0x34: {  	[sflag:s12] =	ssyncset.done $0x0  }
0x35: {  	[sflag:s12] =	ssyncadd.s32 $0xFFFFF000  }
0x36: {  	_ =	swait.ge [sflag:s20], $0x1000  }
0x37: {  	[sflag:s20] =	ssyncset.done $0x0  }
0x38: {  	s30 =	simm.s32 $0x1500;
	[sflag:s20] =	ssyncadd.s32 $0xFFFFF000  }
0x39: {  	[spmem:s2] =	stream.indirect.scatter.add.f32 [tilespmem:s16], [sflag:$0x1], $0x20, s30, s15, $0xb8;
	[tilespmem:$0xE800] =	vst v63  }
0x3a: {  	s31 =	simm.s32 $0x180  }
0x3b: {  	[tilespmem:s17], [sflag:$0x3] =	stream.indirect.gather [spmem:s3], $0x20, s31, s15, $0xb8;
	[tilespmem:$0xE800] =	vst v63  }
0x3c: {  	_ =	swait.ge [sflag:s12], $0x1000  }
0x3d: {  	[sflag:s12] =	ssyncset.done $0x0  }
0x3e: {  	[sflag:s12] =	ssyncadd.s32 $0xFFFFF000  }
0x3f: {  	_ =	swait.ge [sflag:s18], $0x1000  }
0x40: {  	s23 =	simm.s32 $0xFFFFBC00;
	[sflag:s18] =	ssyncset.done $0x0  }
0x41: {  	s24 =	simm.s32 $0x1580;
	s22 =	simm.s32 $0xFFFFEE00;
	[sflag:s18] =	ssyncadd.s32 $0xFFFFF000  }
.LBB2_2:
0x42: {  	[spmem:s2] =	stream.indirect.scatter.add.f32 [tilespmem:s17], [sflag:$0x2], $0x20, s24, s15, $0xb8;
	[tilespmem:$0xE800] =	vst v63  }
0x43: {  	s24 =	smov.u32 s23  }
0x44: {  	s26 =	sadd.s32 $0x400, s23;
	s25 =	sshra.s32 s24, $0x2;
	s24 =	sadd.s32 $0x1400, s22  }
0x45: {  	[tilespmem:s16], [sflag:$0x3] =	stream.indirect.gather [spmem:s3], $0x20, s24, s15, $0xb8;
	[tilespmem:$0xE800] =	vst v63  }
0x46: {  	p0 =	sne.s32 s23, $0xFFFFFC00;
	_ =	swait.ge [sflag:s12], $0x1000  }
0x47: {  	[sflag:s12] =	ssyncset.done $0x0  }
0x48: {  	[sflag:s12] =	ssyncadd.s32 $0xFFFFF000  }
0x49: {  	_ =	swait.ge [sflag:s20], $0x1000  }
0x4a: {  	[sflag:s20] =	ssyncset.done $0x0  }
0x4b: {  	s23 =	sadd.s32 $0x2800, s22;
	[sflag:s20] =	ssyncadd.s32 $0xFFFFF000  }
0x4c: {  	[spmem:s2] =	stream.indirect.scatter.add.f32 [tilespmem:s16], [sflag:$0x1], $0x20, s23, s15, $0xb8;
	[tilespmem:$0xE800] =	vst v63  }
0x4d: {  	s23 =	sadd.s32 $0x1480, s22  }
0x4e: {  	[tilespmem:s17], [sflag:$0x3] =	stream.indirect.gather [spmem:s3], $0x20, s23, s15, $0xb8;
	[tilespmem:$0xE800] =	vst v63  }
0x4f: {  	_ =	swait.ge [sflag:s12], $0x1000  }
.Ltmp0:
0x50: {  	[sflag:s12] =	ssyncset.done $0x0;
	(pc) =	sbr.rel @p0 .LBB2_2-.Ltmp0, $4  }
0x51: {  	[sflag:s12] =	ssyncadd.s32 $0xFFFFF000  }
0x52: {  	_ =	swait.ge [sflag:s18], $0x1000  }
0x53: {  	s24 =	sadd.s32 $0x2880, s22;
	[sflag:s18] =	ssyncset.done $0x0  }
0x54: {  	s22 =	smov.u32 s25;
	s23 =	smov.u32 s26;
	[sflag:s18] =	ssyncadd.s32 $0xFFFFF000  }
0x55: {  	[spmem:s2] =	stream.indirect.scatter.add.f32 [tilespmem:s17], [sflag:$0x2], $0x20, s24, s15, $0xb8;
	[tilespmem:$0xE800] =	vst v63  }
0x56: {  	s23 =	sadd.s32 $0x1400, s22  }
0x57: {  	[tilespmem:s16], [sflag:$0x3] =	stream.indirect.gather [spmem:s3], $0x20, s23, s15, $0xb8;
	[tilespmem:$0xE800] =	vst v63  }
0x58: {  	_ =	swait.ge [sflag:s12], $0x1000  }
0x59: {  	[sflag:s12] =	ssyncset.done $0x0  }
0x5a: {  	[sflag:s12] =	ssyncadd.s32 $0xFFFFF000  }
0x5b: {  	_ =	swait.ge [sflag:s20], $0x1000  }
0x5c: {  	[sflag:s20] =	ssyncset.done $0x0  }
0x5d: {  	s29 =	sadd.s32 $0x2800, s22;
	[sflag:s20] =	ssyncadd.s32 $0xFFFFF000  }
0x5e: {  	[spmem:s2] =	stream.indirect.scatter.add.f32 [tilespmem:s16], [sflag:$0x1], $0x20, s29, s15, $0xb8;
	[tilespmem:$0xE800] =	vst v63  }
0x5f: {  	s30 =	sadd.s32 $0x1480, s22  }
0x60: {  	[tilespmem:s17], [sflag:$0x3] =	stream.indirect.gather [spmem:s3], $0x20, s30, s15, $0xb8;
	[tilespmem:$0xE800] =	vst v63  }
0x61: {  	_ =	swait.ge [sflag:s12], $0x1000  }
0x62: {  	[sflag:s12] =	ssyncset.done $0x0  }
0x63: {  	[sflag:s12] =	ssyncadd.s32 $0xFFFFF000  }
0x64: {  	_ =	swait.ge [sflag:s18], $0x1000  }
0x65: {  	[sflag:s18] =	ssyncset.done $0x0  }
0x66: {  	s31 =	sadd.s32 $0x2880, s22;
	[sflag:s18] =	ssyncadd.s32 $0xFFFFF000  }
0x67: {  	[spmem:s2] =	stream.indirect.scatter.add.f32 [tilespmem:s17], [sflag:$0x2], $0x20, s31, s15, $0xb8;
	[tilespmem:$0xE800] =	vst v63  }
0x68: {  	_ =	swait.ge [sflag:s20], $0x1000  }
0x69: {  	s21 =	sadd.s32 $0x1, s21;
	[sflag:s20] =	ssyncset.done $0x0  }
0x6a: {  	p0 =	sne.s32 s21, s10;
	[sflag:s20] =	ssyncadd.s32 $0xFFFFF000  }
.Ltmp1:
0x6b: {  	[bflag:$0x0] =	sbarrier.arrive $0xFFFF;
	(pc) =	sbr.rel @p0 .LBB2_1-.Ltmp1, $4  }
0x6c: {  	[hbm:s9], [sflag:s6] =	dma.local [spmem:s11], $0xA00  }
0x6d: {  	_ =	swait.ge [sflag:s12], $0xA00  }
0x6e: {  	[sflag:s12] =	ssyncset.done $0x0  }
0x6f: {  	[sflag:s12] =	ssyncadd.s32 $0xFFFFF600  }
0x70: {  	_ =	sfence.sel $0x180000  }
0x71: {  	[bflag:$0x0] =	sbarrier.arrive $0xFFFF  }
0x72: {  	p0 =	sne.s32 s1, $0x0;
	_ =	strace $0x9000004D  }
0x73: {  	s0 =	sadd.s32 @!p0 $0x100000, s0;
	[bflag:$0x2] =	sbarrier.arrive $0xFFFF  }
0x74: {  	[sflag:s0] =	ssyncadd.tile.s32 @!p0 $0x1;
	_ =	shalt  }
.Lfunc_end2:
_tile_overlayer_lowered:
.L_overlay_start_2:
0x75: {  	(tag) =	ssettag $0x2  }
0x76: {  	s0 =	rddreg [dreg:$0x0];
	s2 =	stileid.u32  }
0x77: {  	s1 =	rddreg [dreg:$0x1];
	p0 =	sne.s32 s2, $0x0  }
0x78: {  	s3 =	rddreg [dreg:$0x2];
	[bflag:$0x3] =	sbarrier.arrive $0xFFFF;
	s2 =	simm.s32 @!p0 $0x1C03  }
0x79: {  	[timem:s3], [sflag:s2] =	dma.local @!p0 [hbm:s0], s1  }
0x7a: {  	s0 =	simm.s32 @!p0 $0x3  }
0x7b: {  	_ =	swait.ge @!p0 [sflag:s0], s1  }
0x7c: {  	s1 =	ssub.s32 @!p0 $0x0, s1;
	[sflag:s0] =	ssyncset.done @!p0 $0x0  }
0x7d: {  	[sflag:s0] =	ssyncadd.s32 @!p0 s1  }
0x7e: {  	[bflag:$0x3] =	sbarrier.arrive $0xFFFF  }
0x7f: {  	_ =	shalt  }

// kernel: kernel.9.cloned.1.call-start
scs
__scs_entry_jumppad:
0x0: {  	(pc) =	sbr.rel $0x88, $3  }
0x1: {  	(tag) =	ssettag $0x0;
	lr =	simm.s32 $0x1  }
0x2: {  	[smem:$0x3F99] =	sst lr;
	_ =	strace $0xD0000000  }
0x3: {  	_ = 	snop  }
0x4: {  	_ = 	snop  }
0x5: {  	_ = 	snop  }
0x6: {  	_ = 	snop  }
0x7: {  	_ = 	snop  }
__scs_overlays_trampoline_lowered:
0x8: {  	[smem:$0x3FA8] =	sst s0  }
0x9: {  	[smem:$0x3FA9] =	sst s1  }
0xa: {  	[smem:$0x3FAA] =	sst s2  }
0xb: {  	[smem:$0x3FAB] =	sst s3  }
0xc: {  	[smem:$0x3FAC] =	sst s4  }
0xd: {  	[smem:$0x3FAD] =	sst s5  }
0xe: {  	[smem:$0x3FAE] =	sst s6  }
0xf: {  	[smem:$0x3FAF] =	sst s7  }
0x10: {  	[smem:$0x3FB0] =	sst s8  }
0x11: {  	[smem:$0x3FB1] =	sst s9;
	s0 =	simm.s32 @!p0 $0x0  }
0x12: {  	s1 =	sld [smem:$0x3F97];
	s0 =	simm.s32 @p0 $0x1  }
0x13: {  	[smem:$0x3FB2] =	sst s0;
	s0 =	simm.s32 @!p1 $0x0  }
0x14: {  	s2 =	sld [smem:$0x3F96];
	s0 =	simm.s32 @p1 $0x1  }
0x15: {  	[smem:$0x3FB3] =	sst s0;
	s0 =	simm.s32 @!p2 $0x0  }
0x16: {  	s3 =	sld [smem:$0x3FDB];
	s0 =	simm.s32 @p2 $0x1  }
0x17: {  	s4 =	simm.s32 $0x1BF5;
	[smem:$0x3FB5] =	sst s0  }
0x18: {  	s0 =	sld [smem:$0x3F98];
	_ =	swait.ge [sflag:s4], $0x0  }
0x19: {  	s7 =	sld [smem:$0x3F99]  }
0x1a: {  	s8 =	sadd.s32 $0xFFFFE003, lr  }
0x1b: {  	s9 =	sadd.s32 $0xFFFFFEF7, lr;
	s5 =	simm.s32 $0xFFFFFFFF;
	p2 =	slt.u32 s8, $0xFFFFF086  }
0x1c: {  	p1 =	slt.u32 s9, $0xF7A;
	s5 =	simm.s32 @!p2 $0x0  }
0x1d: {  	s5 =	simm.s32 @p1 $0x1;
	p0 =	seq.s32 s7, s2  }
0x1e: {  	s7 =	smul.u32 @!p0 $0xF7A, s2;
	p2 =	seq.s32 @!p0 s5, $0x0  }
0x1f: {  	s9 =	smul.u32 $0xF7A, s1;
	s8 =	simm.s32 @!p0 $0x1BF5;
	p2 =	por !p2, p0  }
0x20: {  	[sflag:s8] =	ssyncset.s32 @!p0 $0xFFFFF086;
	s6 =	sadd.s32 @!p0 s3, s7;
	s7 =	simm.s32 @!p0 $0x108  }
0x21: {  	s3 =	sadd.s32 s3, s9;
	s6 =	sadd.s32 @!p0 $0x88, s6;
	s7 =	simm.s32 @p2 $0x1082  }
0x22: {  	[simem:s7], [sflag:s8] =	dma.local @!p0 [hbm:s6], $0xF7A  }
0x23: {  	s9 =	sor.u32 $0xD0000000, s2;
	s6 =	simm.s32 $0x108;
	_ =	swait.ge @!p0 [sflag:s8], $0x0  }
0x24: {  	s3 =	sadd.s32 $0x88, s3;
	s6 =	simm.s32 @!p1 $0x1082;
	[sflag:s4] =	ssyncset.s32 $0xFFFFF086  }
0x25: {  	[simem:s6], [sflag:s4] =	dma.local [hbm:s3], $0xF7A  }
0x26: {  	[smem:$0x3F99] =	sst s1;
	(tag) =	ssettag s2;
	_ =	strace s9  }
0x27: {  	s1 =	sld [smem:$0x3FA9]  }
0x28: {  	s2 =	sld [smem:$0x3FAA]  }
0x29: {  	s4 =	sld [smem:$0x3FAC]  }
0x2a: {  	p0 =	seq.s32 s5, $0x0;
	s5 =	sld [smem:$0x3FAD]  }
0x2b: {  	s6 =	sld [smem:$0x3FAE]  }
0x2c: {  	s7 =	sld [smem:$0x3FAF]  }
0x2d: {  	s3 =	simm.s32 $0x108;
	s8 =	sld [smem:$0x3FB0]  }
0x2e: {  	s3 =	simm.s32 @!p0 $0x1082;
	s9 =	sld [smem:$0x3FB1]  }
0x2f: {  	lr =	sadd.s32 s0, s3;
	s0 =	sld [smem:$0x3FA8]  }
0x30: {  	s3 =	sld [smem:$0x3FAB]  }
0x31: {  	[smem:$0x3FB4] =	sst s10  }
0x32: {  	s10 =	sld [smem:$0x3FB2];
	_ =	sdelay $0x3  }
0x33: {  	p0 =	seq.s32 s10, $0x1;
	s10 =	sld [smem:$0x3FB4];
	_ =	sdelay $0x3  }
0x34: {  	[smem:$0x3FB4] =	sst s10  }
0x35: {  	s10 =	sld [smem:$0x3FB3];
	_ =	sdelay $0x3  }
0x36: {  	p1 =	seq.s32 s10, $0x1;
	s10 =	sld [smem:$0x3FB4];
	_ =	sdelay $0x3  }
0x37: {  	[smem:$0x3FB4] =	sst s10  }
0x38: {  	s10 =	sld [smem:$0x3FB5]  }
0x39: {  	_ = 	snop;
	(pc) =	sbr.ind lr, $3  }
0x3a: {  	_ = 	snop  }
0x3b: {  	_ = 	snop  }
0x3c: {  	p2 =	seq.s32 s10, $0x1;
	s10 =	sld [smem:$0x3FB4]  }
0x3d: {  	_ =	shalt  }
0x3e: {  	_ =	shalt  }
0x3f: {  	_ =	shalt  }
0x40: {  	_ =	shalt  }
0x41: {  	_ =	shalt  }
0x42: {  	_ =	shalt  }
0x43: {  	_ =	shalt  }
0x44: {  	_ =	shalt  }
0x45: {  	_ =	shalt  }
0x46: {  	_ =	shalt  }
0x47: {  	_ =	shalt  }
0x48: {  	_ =	shalt  }
0x49: {  	_ =	shalt  }
0x4a: {  	_ =	shalt  }
0x4b: {  	_ =	shalt  }
0x4c: {  	_ =	shalt  }
0x4d: {  	_ =	shalt  }
0x4e: {  	_ =	shalt  }
0x4f: {  	_ =	shalt  }
0x50: {  	_ =	shalt  }
0x51: {  	_ =	shalt  }
0x52: {  	_ =	shalt  }
0x53: {  	_ =	shalt  }
0x54: {  	_ =	shalt  }
0x55: {  	_ =	shalt  }
0x56: {  	_ =	shalt  }
0x57: {  	_ =	shalt  }
0x58: {  	_ =	shalt  }
0x59: {  	_ =	shalt  }
0x5a: {  	_ =	shalt  }
0x5b: {  	_ =	shalt  }
0x5c: {  	_ =	shalt  }
0x5d: {  	_ =	shalt  }
0x5e: {  	_ =	shalt  }
0x5f: {  	_ =	shalt  }
0x60: {  	_ =	shalt  }
0x61: {  	_ =	shalt  }
0x62: {  	_ =	shalt  }
0x63: {  	_ =	shalt  }
0x64: {  	_ =	shalt  }
0x65: {  	_ =	shalt  }
0x66: {  	_ =	shalt  }
0x67: {  	_ =	shalt  }
0x68: {  	_ =	shalt  }
0x69: {  	_ =	shalt  }
0x6a: {  	_ =	shalt  }
0x6b: {  	_ =	shalt  }
0x6c: {  	_ =	shalt  }
0x6d: {  	_ =	shalt  }
0x6e: {  	_ =	shalt  }
0x6f: {  	_ =	shalt  }
0x70: {  	_ =	shalt  }
0x71: {  	_ =	shalt  }
0x72: {  	_ =	shalt  }
0x73: {  	_ =	shalt  }
0x74: {  	_ =	shalt  }
0x75: {  	_ =	shalt  }
0x76: {  	_ =	shalt  }
0x77: {  	_ =	shalt  }
0x78: {  	_ =	shalt  }
0x79: {  	_ =	shalt  }
0x7a: {  	_ =	shalt  }
0x7b: {  	_ =	shalt  }
0x7c: {  	_ =	shalt  }
0x7d: {  	_ =	shalt  }
0x7e: {  	_ =	shalt  }
0x7f: {  	_ =	shalt  }
0x80: {  	_ =	shalt  }
0x81: {  	_ =	shalt  }
0x82: {  	_ =	shalt  }
0x83: {  	_ =	shalt  }
0x84: {  	_ =	shalt  }
0x85: {  	_ =	shalt  }
0x86: {  	_ =	shalt  }
0x87: {  	_ =	shalt  }
.Lfunc_end0:
.L_simem_size_0:
called_computation_lowered:
.L_overlay_start_0:
0x88: {  	s2 =	sld [smem:$0x3FD9]  }
0x89: {  	s3 =	sld [smem:$0x3FFE];
	_ =	sdelay $0x1  }
0x8a: {  	s1 =	srdreg.scid  }
0x8b: {  	s0 =	sand.u32 $0x1, s1  }
0x8c: {  	s14 =	sshll.u32 s0, $0xA;
	s2 =	sadd.s32 s3, s2  }
0x8d: {  	s2 =	sadd.s32 s2, s14  }
0x8e: {  	[smem:$0x3FC0] =	sst s2  }
0x8f: {  	_ = 	snop  }
0x90: {  	s2 =	sld [smem:$0x3FD0];
	_ =	sdelay $0x2  }
0x91: {  	s15 =	simm.s32 $0xA;
	s4 =	simm.s32 $0x10  }
0x92: {  	[smem:s4], [sflag:s15] =	dma.local [hbm:s2], $0x1  }
0x93: {  	_ =	swait.eq [sflag:s15], $0x1  }
0x94: {  	[sflag:s15] =	ssyncset.done $0x0  }
0x95: {  	s16 =	sld [smem:$0x10];
	[sflag:s15] =	ssyncadd.s32 $0xFFFFFFFF  }
0x96: {  	s17 =	sld [smem:$0x12];
	(tm) =	ssettm $0x1  }
0x97: {  	s18 =	sld [smem:$0x3FFB];
	_ =	sdelay $0x3  }
0x98: {  	_ =	strace s18  }
0x99: {  	s4 =	sld [smem:$0x3FFC];
	_ =	sdelay $0x3  }
0x9a: {  	_ =	strace s4  }
0x9b: {  	s4 =	sld [smem:$0x3FFD];
	_ =	sdelay $0x3  }
0x9c: {  	_ =	strace s4  }
0x9d: {  	_ =	strace $0x8FFFFFFF  }
0x9e: {  	s19 =	sld [smem:$0x3FDB];
	_ =	sdelay $0x1  }
0x9f: {  	s5 =	simm.s32 $_scs_section_size  }
0xa0: {  	s6 =	simm.s32 $_size__tile_overlayer_lowered;
	s7 =	simm.s32 $_tile_overlayer_lowered  }
0xa1: {  	s22 =	simm.s32 $0x1BFF;
	s21 =	sshll.u32 s7, $0x1;
	s4 =	sadd.s32 s5, s19  }
0xa2: {  	s8 =	simm.s32 $0x0;
	s20 =	sshll.u32 s6, $0x1;
	s6 =	sadd.s32 s21, s4  }
0xa3: {  	[timem:s8], [sflag:s22] =	dma.local [hbm:s6], s20  }
0xa4: {  	_ =	swait.ge [sflag:s22], s20  }
0xa5: {  	s5 =	ssub.s32 $0x0, s20;
	[sflag:s22] =	ssyncset.done $0x0  }
0xa6: {  	[sflag:s22] =	ssyncadd.s32 s5;
	_ =	sdelay $0x1  }
0xa7: {  	s23 =	simm.s32 $0x1B8B  }
0xa8: {  	_ =	swait.ge [sflag:s23], $0x1  }
0xa9: {  	[sflag:s23] =	ssyncset.done $0x0  }
0xaa: {  	s25 =	simm.s32 $0x1B8E;
	s24 =	sld [smem:$0x3FFE];
	[sflag:s23] =	ssyncadd.s32 $0xFFFFFFFF  }
0xab: {  	s26 =	simm.s32 $execute0_lowered;
	[smem:$0x3FD2] =	sst s25  }
0xac: {  	s6 =	sshll.u32 s26, $0x1;
	_ =	strace $0x80000046;
	[dreg:$0x1] =	wrdreg $0xFFFFFFFF  }
0xad: {  	s28 =	simm.s32 $_size_execute0_lowered;
	s4 =	sadd.s32 s4, s6;
	[dreg:$0x0] =	wrdreg $0x0  }
0xae: {  	s6 =	sshll.u32 s28, $0x1;
	[dreg:$0x2] =	wrdreg s4  }
0xaf: {  	[dreg:$0x3] =	wrdreg s6  }
0xb0: {  	[dreg:$0x4] =	wrdreg $0xC0  }
0xb1: {  	_ =	task [dreg:s8], $0x5FFFF  }
0xb2: {  	[dreg:$0x1] =	wrdreg $0xFFFFFFFF  }
0xb3: {  	[dreg:$0x0] =	wrdreg $0x60  }
0xb4: {  	[dreg:$0x2] =	wrdreg s24  }
0xb5: {  	[dreg:$0x3] =	wrdreg s17  }
0xb6: {  	[dreg:$0x4] =	wrdreg s16  }
0xb7: {  	[dreg:$0x5] =	wrdreg $0x1C000  }
0xb8: {  	[dreg:$0x6] =	wrdreg $0x9  }
0xb9: {  	_ =	task.clear_ibuf [dreg:s8], $0x7FFFF;
	_ =	strace $0x90000046  }
0xba: {  	s29 =	simm.s32 $0x9;
	_ =	strace $0x80000048  }
0xbb: {  	_ =	swait.ge [sflag:s29], $0x1  }
0xbc: {  	[sflag:s29] =	ssyncadd.s32 $0xFFFFFFFF  }
0xbd: {  	_ =	strace $0x90000048  }
0xbe: {  	_ =	sfence  }
0xbf: {  	s30 =	sld [smem:$0x0];
	_ =	sdelay $0x2  }
0xc0: {  	s31 =	sshll.u32 s1, $0xD;
	s1 =	sshrl.u32 s1, $0x2  }
0xc1: {  	s3 =	sand.u32 $0x4000, s31;
	s1 =	sadd.s32 s1, s30  }
0xc2: {  	s0 =	sor.u32 s3, s0;
	s1 =	sshll.u32 s1, $0x11  }
0xc3: {  	s0 =	sor.u32 s1, s0  }
0xc4: {  	s0 =	sadd.s32 $0x8F2B, s0  }
0xc5: {  	[sflag:s0] =	ssyncadd.remote.s32 $0x1  }
0xc6: {  	_ =	sfence.sel $0xFFFF  }
0xc7: {  	[dreg:$0x0] =	wrdreg $0xFFFFFFFF;
	(pc) =	sbr.abs _section_cstart, $3  }
0xc8: {  	[dreg:$0x1] =	wrdreg $0xFFFFFFFF  }
0xc9: {  	_ =	task.clear_ibuf [dreg:s8], $0x2FFFF;
	_ =	strace $0x9FFFFFFF  }
0xca: {  	(tm) =	ssettm $0x7FFFFFFF  }
0xcb: {  	_ =	shalt  }
tec
execute0_lowered:
.L_overlay_start_1:
0x0: {  	(tag) =	ssettag $0x1  }
0x1: {  	s5 =	rddreg [dreg:$0x0]  }
0x2: {  	s1 =	rddreg [dreg:$0x1]  }
0x3: {  	s8 =	rddreg [dreg:$0x2]  }
0x4: {  	s3 =	rddreg [dreg:$0x3]  }
0x5: {  	s0 =	rddreg [dreg:$0x4];
	s6 =	srdreg.scid  }
0x6: {  	s2 =	stileid.u32;
	s4 =	simm.s32 $0x0;
	s13 =	simm.s32 $0x80  }
0x7: {  	s14 =	simm.s32 $0x0;
	s6 =	sand.u32 $0x1, s6;
	s7 =	sshll.u32 s2, $0x1  }
0x8: {  	[smem:$0x7FF] =	sst s4;
	s9 =	smul.u32 $0x2800, s2;
	s31 =	sshll.u32 s2, $0x6  }
0x9: {  	s7 =	sor.u32 s6, s7;
	s11 =	ssub.s32 $0x2, s6;
	s6 =	smul.u32 $0x28000, s6  }
0xa: {  	_ =	strace $0x80000047;
	s7 =	smul.u32 $0x280, s7;
	s10 =	sshrl.u32 s9, $0x3  }
0xb: {  	s29 =	sshrl.u32 s11, $0x1;
	s30 =	sadd.s32 s9, s3;
	s6 =	sadd.s32 s9, s6  }
0xc: {  	s7 =	sadd.s32 s7, s5;
	s5 =	sadd.s32 s10, s5;
	s10 =	ssub.s32 s11, s29  }
0xd: {  	s12 =	sshrl.u32 s6, $0x3;
	s6 =	sor.u32 $0x1C01, s31;
	s11 =	simm.s32 $0x1  }
0xe: {  	s5 =	sadd.s32 $0x8000, s5;
	s7 =	sadd.s32 $0x3000, s7;
	s8 =	sadd.s32 s8, s12  }
0xf: {  	s9 =	smax.u32 s10, $0x1;
	s10 =	sshrl.u32 s30, $0x3;
	s12 =	simm.s32 $0x1400  }
.LBB2_1:
0x10: {  	[spmem:s10], [sflag:s6] =	dma.local [hbm:s5], $0x500  }
0x11: {  	_ =	swait.ge [sflag:s11], $0x500  }
0x12: {  	[sflag:s11] =	ssyncset.done $0x0  }
0x13: {  	[sflag:s11] =	ssyncadd.s32 $0xFFFFFB00  }
0x14: {  	[tilespmem:s4], [sflag:$0x1] =	stream.linear.gather [hbm4b:s7+s4], $0x1400, $0x38;
	[tilespmem:$0x4400] =	vst v63  }
0x15: {  	_ =	swait.ge [sflag:s11], $0x1400  }
0x16: {  	[sflag:s11] =	ssyncset.done $0x0  }
0x17: {  	[sflag:s11] =	ssyncadd.s32 $0xFFFFEC00  }
0x18: {  	[tilespmem:s12], [sflag:$0x1] =	stream.linear.gather [hbm4b:s1+s4], $0x800, $0x38;
	[tilespmem:$0x4400] =	vst v63  }
0x19: {  	_ =	swait.ge [sflag:s11], $0x800  }
0x1a: {  	[sflag:s11] =	ssyncset.done $0x0  }
0x1b: {  	[sflag:s11] =	ssyncadd.s32 $0xFFFFF800  }
0x1c: {  	s15 =	simm.s32 $0x0;
	[bflag:$0x0] =	sbarrier.arrive $0xFFFF  }
0x1d: {  	[spmem:s3] =	stream.indirect.scatter.add.f32 [tilespmem:s12], [sflag:$0x1], $0x10, s15, s13, $0xb8;
	[tilespmem:$0x4400] =	vst v63  }
0x1e: {  	_ =	swait.ge [sflag:s11], $0x800  }
0x1f: {  	s15 =	simm.s32 $0x200;
	[sflag:s11] =	ssyncset.done $0x0  }
.LBB2_2:
0x20: {  	s16 =	sshra.s32 s15, $0x2;
	[sflag:s11] =	ssyncadd.s32 $0xFFFFF800;
	p0 =	sne.s32 s15, $0x4E00  }
0x21: {  	[spmem:s3] =	stream.indirect.scatter.add.f32 [tilespmem:s12], [sflag:$0x1], $0x10, s16, s13, $0xb8;
	[tilespmem:$0x4400] =	vst v63  }
.Ltmp0:
0x22: {  	_ = 	snop;
	(pc) =	sbr.rel @p0 .LBB2_2-.Ltmp0, $4  }
0x23: {  	_ = 	snop  }
0x24: {  	s15 =	sadd.s32 $0x200, s15  }
0x25: {  	_ =	swait.ge [sflag:s11], $0x800  }
0x26: {  	[sflag:s11] =	ssyncset.done $0x0  }
0x27: {  	s14 =	sadd.s32 $0x1, s14  }
0x28: {  	[sflag:s11] =	ssyncadd.s32 $0xFFFFF800;
	p0 =	sne.s32 s14, s9  }
.Ltmp1:
0x29: {  	[bflag:$0x0] =	sbarrier.arrive $0xFFFF;
	(pc) =	sbr.rel @p0 .LBB2_1-.Ltmp1, $4  }
0x2a: {  	[hbm:s8], [sflag:s6] =	dma.local [spmem:s10], $0x500  }
0x2b: {  	_ =	swait.ge [sflag:s11], $0x500  }
0x2c: {  	[sflag:s11] =	ssyncset.done $0x0  }
0x2d: {  	[sflag:s11] =	ssyncadd.s32 $0xFFFFFB00  }
0x2e: {  	_ =	sfence.sel $0x180000  }
0x2f: {  	[bflag:$0x0] =	sbarrier.arrive $0xFFFF  }
0x30: {  	p0 =	sne.s32 s2, $0x0;
	_ =	strace $0x90000047  }
0x31: {  	s0 =	sadd.s32 @!p0 $0x100000, s0;
	[bflag:$0x2] =	sbarrier.arrive $0xFFFF  }
0x32: {  	[sflag:s0] =	ssyncadd.tile.s32 @!p0 $0x1;
	_ =	shalt  }
.Lfunc_end2:
_tile_overlayer_lowered:
.L_overlay_start_2:
0x33: {  	(tag) =	ssettag $0x2  }
0x34: {  	s0 =	rddreg [dreg:$0x0];
	s2 =	stileid.u32  }
0x35: {  	s1 =	rddreg [dreg:$0x1];
	p0 =	sne.s32 s2, $0x0  }
0x36: {  	s3 =	rddreg [dreg:$0x2];
	[bflag:$0x3] =	sbarrier.arrive $0xFFFF;
	s2 =	simm.s32 @!p0 $0x1C01  }
0x37: {  	[timem:s3], [sflag:s2] =	dma.local @!p0 [hbm:s0], s1  }
0x38: {  	s0 =	simm.s32 @!p0 $0x1  }
0x39: {  	_ =	swait.ge @!p0 [sflag:s0], s1  }
0x3a: {  	s1 =	ssub.s32 @!p0 $0x0, s1;
	[sflag:s0] =	ssyncset.done @!p0 $0x0  }
0x3b: {  	[sflag:s0] =	ssyncadd.s32 @!p0 s1  }
0x3c: {  	[bflag:$0x3] =	sbarrier.arrive $0xFFFF  }
0x3d: {  	_ =	shalt  }

</sc_bundles>
